<compile_context>
chip_gen: v7x
topology: tpu7x:2x2x1
jax: 0.10.2.dev20260603
libtpu: 0.0.44.dev20260713+nightly
codegen_flags: <defaults>
</compile_context>

<pallas_src>
import functools

import jax
import jax.numpy as jnp
from jax import lax
from jax.experimental import pallas as pl
from jax.experimental.pallas import tpu as pltpu
from jax.experimental.pallas import tpu_sc as plsc

_NC = 2
_NS = 16
_NW = _NC * _NS
_L = 128


def _make_gather(R: int, D: int, K: int):
    assert R % _NW == 0
    n_chunks = R // _NW
    assert n_chunks >= K + 1
    mesh = plsc.VectorSubcoreMesh(core_axis_name="c", subcore_axis_name="s")

    @functools.partial(
        pl.kernel,
        mesh=mesh,
        out_type=jax.ShapeDtypeStruct((R, _L, _L), jnp.float32),
        scratch_types=[
            pltpu.VMEM((n_chunks, _L), jnp.int32),
            pltpu.VMEM((K, _L, D), jnp.float32),
            pltpu.SemaphoreType.DMA((K,)),
            pltpu.SemaphoreType.DMA((K,)),
        ],
        compiler_params=pltpu.CompilerParams(use_tc_tiling_on_sc=False),
    )
    def gather_kernel(idx_hbm, table_hbm, out_hbm, idx_v, rows_v, gsem, ssem):
        wid = lax.axis_index("s") * _NC + lax.axis_index("c")
        base = wid * n_chunks

        pltpu.sync_copy(idx_hbm.at[pl.ds(base, n_chunks)], idx_v)

        def gather(i, slot):
            return pltpu.make_async_copy(
                table_hbm.at[idx_v.at[i]],
                rows_v.at[slot], gsem.at[slot],
            )

        def store(i, slot):
            return pltpu.make_async_copy(
                rows_v.at[slot],
                out_hbm.at[base + i].at[:, pl.ds(0, D)],
                ssem.at[slot],
            )

        for i in range(K - 1):
            gather(i, i).start()

        gather(0, 0).wait()
        store(0, 0).start()
        gather(K - 1, K - 1).start()

        def body(i, carry):
            slot = lax.rem(i, K)
            gather(i, slot).wait()
            store(i, slot).start()
            ns = lax.rem(i + K - 1, K)
            store(i - 1, ns).wait()
            gather(i + K - 1, ns).start()
            return carry

        lax.fori_loop(1, n_chunks - K + 1, body, 0)

        for i in range(n_chunks - K + 1, n_chunks):
            gather(i, i % K).wait()
            store(i, i % K).start()
        for i in range(n_chunks - K, n_chunks):
            store(i, i % K).wait()

    return gather_kernel


def kernel(idx, pe):
    S, T = idx.shape
    V, D = pe.shape
    B = S * T
    idx_rows = idx.reshape(B // _L, _L)
    out_pad = _make_gather(B // _L, D, 10)(idx_rows, pe)
    return out_pad.reshape(S, T, _L)[:, :, :D]

# --- scband reference (transcript-rebuilt; emitter-appended) ---
"""Pipeline reference for scband-integer-fourier-embedding-12463995093946 (READ-ONLY COPY).

The authoritative reference and input builder live on the scoring server;
editing this copy changes nothing except your own understanding.
"""

import math
import jax, jax.numpy as jnp
import numpy as np

EMB_DIM = 64
MIN_INDEX = 0
MAX_INDEX = 100000


def _build_pe():
    max_len = MAX_INDEX - MIN_INDEX
    position = np.arange(MIN_INDEX, MAX_INDEX + 1, dtype=np.float32)[:, None]
    div_term = np.exp(np.arange(0, EMB_DIM, 2, dtype=np.float32) * (-math.log(float(max_len)) / EMB_DIM))
    pe = np.zeros((max_len + 1, EMB_DIM), dtype=np.float32)
    pe[:, 0::2] = np.sin(position * div_term)
    pe[:, 1::2] = np.cos(position * div_term)
    return jnp.asarray(pe)


def setup_inputs(seed: int = 0) -> dict:
    key = jax.random.key(seed)
    idx = jax.random.randint(key, (4096, 200), 0, MAX_INDEX, dtype=jnp.int32)
    pe = _build_pe()
    return {"idx": idx, "pe": pe}


def reference(idx, pe):
    idx_flat = idx.reshape(-1)
    gathered = jnp.take(pe, idx_flat + MIN_INDEX, axis=0)
    return gathered.reshape(idx.shape + (pe.shape[1],))

if __name__ == "__main__":
    import jax
    _d = setup_inputs()
    print(jax.jit(kernel)(*tuple(_d.values())))

</pallas_src>

<mosaic_0001>
#map = affine_map<(d0, d1) -> (0, 0)>
#map1 = affine_map<(d0, d1) -> (0, 0, 0)>
module attributes {stable_mosaic.version = 14 : i64} {
  func.func @gather_kernel(%arg0: i32, %arg1: i32, %arg2: memref<6400x128xi32, #tpu.memory_space<hbm>>, %arg3: memref<100001x64xf32, #tpu.memory_space<hbm>>, %arg4: memref<6400x128x128xf32, #tpu.memory_space<hbm>>, %arg5: memref<200x128xi32, #tpu.memory_space<vmem>>, %arg6: memref<10x128x64xf32, #tpu.memory_space<vmem>>, %arg7: memref<10x!tpu.dma_semaphore, #tpu.memory_space<semaphore_mem>>, %arg8: memref<10x!tpu.dma_semaphore, #tpu.memory_space<semaphore_mem>>) attributes {dimension_semantics = [#tpu.dimension_semantics<core_parallel>, #tpu.dimension_semantics<subcore_parallel>], iteration_bounds = array<i64: 2, 16>, scalar_prefetch = 0 : i64, scratch_operands = 4 : i64, tpu.core_type = #tpu.core_type<sc_vector_subcore>, window_params = [{transform_indices = #map}, {transform_indices = #map}, {transform_indices = #map1}]} {
    %mul3A = arith.constant 2 : i32
    %mul3A_0 = arith.muli %arg1, %mul3A : i32
    %add3A = arith.addi %mul3A_0, %arg0 : i32
    %mul3A_1 = arith.constant 200 : i32
    %mul3A_2 = arith.muli %add3A, %mul3A_1 : i32
    "tpu.region"() ({
      %run_scoped3A = tpu.sem_alloc : memref<!tpu.dma_semaphore, #tpu.memory_space<semaphore_mem>>
      %dma_start3A_866 = arith.constant 0 : i32
      %dma_start3A_867 = tpu.memref_slice %arg2[%mul3A_2, %dma_start3A_866] : memref<6400x128xi32, #tpu.memory_space<hbm>> -> memref<200x128xi32, #tpu.memory_space<hbm>>
      %dma_start3A_868 = arith.constant 0 : i32
      %dma_start3A_869 = tpu.memref_slice %arg2[%mul3A_2, %dma_start3A_868] : memref<6400x128xi32, #tpu.memory_space<hbm>> -> memref<200x128xi32, #tpu.memory_space<hbm>>
      tpu.enqueue_dma source(%dma_start3A_869 : memref<200x128xi32, #tpu.memory_space<hbm>>) target(%arg5 : memref<200x128xi32, #tpu.memory_space<vmem>>) target_semaphore(%run_scoped3A : memref<!tpu.dma_semaphore, #tpu.memory_space<semaphore_mem>>)
      %dma_wait3A_870 = arith.constant 0 : i32
      %dma_wait3A_871 = tpu.memref_slice %arg2[%mul3A_2, %dma_wait3A_870] : memref<6400x128xi32, #tpu.memory_space<hbm>> -> memref<200x128xi32, #tpu.memory_space<hbm>>
      %dma_wait3A_872 = arith.constant 0 : i32
      %dma_wait3A_873 = tpu.memref_slice %arg2[%mul3A_2, %dma_wait3A_872] : memref<6400x128xi32, #tpu.memory_space<hbm>> -> memref<200x128xi32, #tpu.memory_space<hbm>>
      tpu.wait_dma2 semaphore(%run_scoped3A : memref<!tpu.dma_semaphore, #tpu.memory_space<semaphore_mem>>) src(%dma_wait3A_873 : memref<200x128xi32, #tpu.memory_space<hbm>>) dst(%arg5 : memref<200x128xi32, #tpu.memory_space<vmem>>)
      tpu.yield
    }) : () -> ()
    %dma_start3A = arith.constant 0 : i32
    %dma_start3A_3 = arith.constant 0 : i32
    %dma_start3A_4 = arith.constant 0 : i32
    %dma_start3A_5 = arith.constant 0 : i32
    %dma_start3A_6 = arith.constant 0 : i32
    %dma_start3A_7 = tpu.memref_slice %arg6[%dma_start3A_3, %dma_start3A_5, %dma_start3A_6] : memref<10x128x64xf32, #tpu.memory_space<vmem>> -> memref<1x128x64xf32, #tpu.memory_space<vmem>>
    %dma_start3A_8 = tpu.memref_squeeze %dma_start3A_7 : memref<1x128x64xf32, #tpu.memory_space<vmem>> -> memref<128x64xf32, #tpu.memory_space<vmem>>
    %dma_start3A_9 = arith.constant 0 : i32
    %dma_start3A_10 = tpu.memref_slice %arg5[%dma_start3A, %dma_start3A_9] : memref<200x128xi32, #tpu.memory_space<vmem>> -> memref<1x128xi32, #tpu.memory_space<vmem>>
    %dma_start3A_11 = tpu.memref_squeeze %dma_start3A_10 : memref<1x128xi32, #tpu.memory_space<vmem>> -> memref<128xi32, #tpu.memory_space<vmem>>
    %dma_start3A_12 = arith.constant 0 : i32
    %dma_start3A_13 = arith.constant 0 : i32
    %dma_start3A_14 = tpu.memref_slice %arg3[%dma_start3A_12, %dma_start3A_13] : memref<100001x64xf32, #tpu.memory_space<hbm>> -> memref<100001x64xf32, #tpu.memory_space<hbm>>
    %dma_start3A_15 = tpu.memref_slice %arg7[%dma_start3A_4] : memref<10x!tpu.dma_semaphore, #tpu.memory_space<semaphore_mem>> -> memref<1x!tpu.dma_semaphore, #tpu.memory_space<semaphore_mem>>
    %dma_start3A_16 = tpu.memref_squeeze %dma_start3A_15 : memref<1x!tpu.dma_semaphore, #tpu.memory_space<semaphore_mem>> -> memref<!tpu.dma_semaphore, #tpu.memory_space<semaphore_mem>>
    tpu.enqueue_indirect_dma source(%dma_start3A_14 : memref<100001x64xf32, #tpu.memory_space<hbm>>) target(%dma_start3A_8 : memref<128x64xf32, #tpu.memory_space<vmem>>) offsets(%dma_start3A_11 : memref<128xi32, #tpu.memory_space<vmem>>) semaphore(%dma_start3A_16 : memref<!tpu.dma_semaphore, #tpu.memory_space<semaphore_mem>>)
    %dma_start3A_17 = arith.constant 1 : i32
    %dma_start3A_18 = arith.constant 1 : i32
    %dma_start3A_19 = arith.constant 1 : i32
    %dma_start3A_20 = arith.constant 0 : i32
    %dma_start3A_21 = arith.constant 0 : i32
    %dma_start3A_22 = tpu.memref_slice %arg6[%dma_start3A_18, %dma_start3A_20, %dma_start3A_21] : memref<10x128x64xf32, #tpu.memory_space<vmem>> -> memref<1x128x64xf32, #tpu.memory_space<vmem>>
    %dma_start3A_23 = tpu.memref_squeeze %dma_start3A_22 : memref<1x128x64xf32, #tpu.memory_space<vmem>> -> memref<128x64xf32, #tpu.memory_space<vmem>>
    %dma_start3A_24 = arith.constant 0 : i32
    %dma_start3A_25 = tpu.memref_slice %arg5[%dma_start3A_17, %dma_start3A_24] : memref<200x128xi32, #tpu.memory_space<vmem>> -> memref<1x128xi32, #tpu.memory_space<vmem>>
    %dma_start3A_26 = tpu.memref_squeeze %dma_start3A_25 : memref<1x128xi32, #tpu.memory_space<vmem>> -> memref<128xi32, #tpu.memory_space<vmem>>
    %dma_start3A_27 = arith.constant 0 : i32
    %dma_start3A_28 = arith.constant 0 : i32
    %dma_start3A_29 = tpu.memref_slice %arg3[%dma_start3A_27, %dma_start3A_28] : memref<100001x64xf32, #tpu.memory_space<hbm>> -> memref<100001x64xf32, #tpu.memory_space<hbm>>
    %dma_start3A_30 = tpu.memref_slice %arg7[%dma_start3A_19] : memref<10x!tpu.dma_semaphore, #tpu.memory_space<semaphore_mem>> -> memref<1x!tpu.dma_semaphore, #tpu.memory_space<semaphore_mem>>
    %dma_start3A_31 = tpu.memref_squeeze %dma_start3A_30 : memref<1x!tpu.dma_semaphore, #tpu.memory_space<semaphore_mem>> -> memref<!tpu.dma_semaphore, #tpu.memory_space<semaphore_mem>>
    tpu.enqueue_indirect_dma source(%dma_start3A_29 : memref<100001x64xf32, #tpu.memory_space<hbm>>) target(%dma_start3A_23 : memref<128x64xf32, #tpu.memory_space<vmem>>) offsets(%dma_start3A_26 : memref<128xi32, #tpu.memory_space<vmem>>) semaphore(%dma_start3A_31 : memref<!tpu.dma_semaphore, #tpu.memory_space<semaphore_mem>>)
    %dma_start3A_32 = arith.constant 2 : i32
    %dma_start3A_33 = arith.constant 2 : i32
    %dma_start3A_34 = arith.constant 2 : i32
    %dma_start3A_35 = arith.constant 0 : i32
    %dma_start3A_36 = arith.constant 0 : i32
    %dma_start3A_37 = tpu.memref_slice %arg6[%dma_start3A_33, %dma_start3A_35, %dma_start3A_36] : memref<10x128x64xf32, #tpu.memory_space<vmem>> -> memref<1x128x64xf32, #tpu.memory_space<vmem>>
    %dma_start3A_38 = tpu.memref_squeeze %dma_start3A_37 : memref<1x128x64xf32, #tpu.memory_space<vmem>> -> memref<128x64xf32, #tpu.memory_space<vmem>>
    %dma_start3A_39 = arith.constant 0 : i32
    %dma_start3A_40 = tpu.memref_slice %arg5[%dma_start3A_32, %dma_start3A_39] : memref<200x128xi32, #tpu.memory_space<vmem>> -> memref<1x128xi32, #tpu.memory_space<vmem>>
    %dma_start3A_41 = tpu.memref_squeeze %dma_start3A_40 : memref<1x128xi32, #tpu.memory_space<vmem>> -> memref<128xi32, #tpu.memory_space<vmem>>
    %dma_start3A_42 = arith.constant 0 : i32
    %dma_start3A_43 = arith.constant 0 : i32
    %dma_start3A_44 = tpu.memref_slice %arg3[%dma_start3A_42, %dma_start3A_43] : memref<100001x64xf32, #tpu.memory_space<hbm>> -> memref<100001x64xf32, #tpu.memory_space<hbm>>
    %dma_start3A_45 = tpu.memref_slice %arg7[%dma_start3A_34] : memref<10x!tpu.dma_semaphore, #tpu.memory_space<semaphore_mem>> -> memref<1x!tpu.dma_semaphore, #tpu.memory_space<semaphore_mem>>
    %dma_start3A_46 = tpu.memref_squeeze %dma_start3A_45 : memref<1x!tpu.dma_semaphore, #tpu.memory_space<semaphore_mem>> -> memref<!tpu.dma_semaphore, #tpu.memory_space<semaphore_mem>>
    tpu.enqueue_indirect_dma source(%dma_start3A_44 : memref<100001x64xf32, #tpu.memory_space<hbm>>) target(%dma_start3A_38 : memref<128x64xf32, #tpu.memory_space<vmem>>) offsets(%dma_start3A_41 : memref<128xi32, #tpu.memory_space<vmem>>) semaphore(%dma_start3A_46 : memref<!tpu.dma_semaphore, #tpu.memory_space<semaphore_mem>>)
    %dma_start3A_47 = arith.constant 3 : i32
    %dma_start3A_48 = arith.constant 3 : i32
    %dma_start3A_49 = arith.constant 3 : i32
    %dma_start3A_50 = arith.constant 0 : i32
    %dma_start3A_51 = arith.constant 0 : i32
    %dma_start3A_52 = tpu.memref_slice %arg6[%dma_start3A_48, %dma_start3A_50, %dma_start3A_51] : memref<10x128x64xf32, #tpu.memory_space<vmem>> -> memref<1x128x64xf32, #tpu.memory_space<vmem>>
    %dma_start3A_53 = tpu.memref_squeeze %dma_start3A_52 : memref<1x128x64xf32, #tpu.memory_space<vmem>> -> memref<128x64xf32, #tpu.memory_space<vmem>>
    %dma_start3A_54 = arith.constant 0 : i32
    %dma_start3A_55 = tpu.memref_slice %arg5[%dma_start3A_47, %dma_start3A_54] : memref<200x128xi32, #tpu.memory_space<vmem>> -> memref<1x128xi32, #tpu.memory_space<vmem>>
    %dma_start3A_56 = tpu.memref_squeeze %dma_start3A_55 : memref<1x128xi32, #tpu.memory_space<vmem>> -> memref<128xi32, #tpu.memory_space<vmem>>
    %dma_start3A_57 = arith.constant 0 : i32
    %dma_start3A_58 = arith.constant 0 : i32
    %dma_start3A_59 = tpu.memref_slice %arg3[%dma_start3A_57, %dma_start3A_58] : memref<100001x64xf32, #tpu.memory_space<hbm>> -> memref<100001x64xf32, #tpu.memory_space<hbm>>
    %dma_start3A_60 = tpu.memref_slice %arg7[%dma_start3A_49] : memref<10x!tpu.dma_semaphore, #tpu.memory_space<semaphore_mem>> -> memref<1x!tpu.dma_semaphore, #tpu.memory_space<semaphore_mem>>
    %dma_start3A_61 = tpu.memref_squeeze %dma_start3A_60 : memref<1x!tpu.dma_semaphore, #tpu.memory_space<semaphore_mem>> -> memref<!tpu.dma_semaphore, #tpu.memory_space<semaphore_mem>>
    tpu.enqueue_indirect_dma source(%dma_start3A_59 : memref<100001x64xf32, #tpu.memory_space<hbm>>) target(%dma_start3A_53 : memref<128x64xf32, #tpu.memory_space<vmem>>) offsets(%dma_start3A_56 : memref<128xi32, #tpu.memory_space<vmem>>) semaphore(%dma_start3A_61 : memref<!tpu.dma_semaphore, #tpu.memory_space<semaphore_mem>>)
    %dma_start3A_62 = arith.constant 4 : i32
    %dma_start3A_63 = arith.constant 4 : i32
    %dma_start3A_64 = arith.constant 4 : i32
    %dma_start3A_65 = arith.constant 0 : i32
    %dma_start3A_66 = arith.constant 0 : i32
    %dma_start3A_67 = tpu.memref_slice %arg6[%dma_start3A_63, %dma_start3A_65, %dma_start3A_66] : memref<10x128x64xf32, #tpu.memory_space<vmem>> -> memref<1x128x64xf32, #tpu.memory_space<vmem>>
    %dma_start3A_68 = tpu.memref_squeeze %dma_start3A_67 : memref<1x128x64xf32, #tpu.memory_space<vmem>> -> memref<128x64xf32, #tpu.memory_space<vmem>>
    %dma_start3A_69 = arith.constant 0 : i32
    %dma_start3A_70 = tpu.memref_slice %arg5[%dma_start3A_62, %dma_start3A_69] : memref<200x128xi32, #tpu.memory_space<vmem>> -> memref<1x128xi32, #tpu.memory_space<vmem>>
    %dma_start3A_71 = tpu.memref_squeeze %dma_start3A_70 : memref<1x128xi32, #tpu.memory_space<vmem>> -> memref<128xi32, #tpu.memory_space<vmem>>
    %dma_start3A_72 = arith.constant 0 : i32
    %dma_start3A_73 = arith.constant 0 : i32
    %dma_start3A_74 = tpu.memref_slice %arg3[%dma_start3A_72, %dma_start3A_73] : memref<100001x64xf32, #tpu.memory_space<hbm>> -> memref<100001x64xf32, #tpu.memory_space<hbm>>
    %dma_start3A_75 = tpu.memref_slice %arg7[%dma_start3A_64] : memref<10x!tpu.dma_semaphore, #tpu.memory_space<semaphore_mem>> -> memref<1x!tpu.dma_semaphore, #tpu.memory_space<semaphore_mem>>
    %dma_start3A_76 = tpu.memref_squeeze %dma_start3A_75 : memref<1x!tpu.dma_semaphore, #tpu.memory_space<semaphore_mem>> -> memref<!tpu.dma_semaphore, #tpu.memory_space<semaphore_mem>>
    tpu.enqueue_indirect_dma source(%dma_start3A_74 : memref<100001x64xf32, #tpu.memory_space<hbm>>) target(%dma_start3A_68 : memref<128x64xf32, #tpu.memory_space<vmem>>) offsets(%dma_start3A_71 : memref<128xi32, #tpu.memory_space<vmem>>) semaphore(%dma_start3A_76 : memref<!tpu.dma_semaphore, #tpu.memory_space<semaphore_mem>>)
    %dma_start3A_77 = arith.constant 5 : i32
    %dma_start3A_78 = arith.constant 5 : i32
    %dma_start3A_79 = arith.constant 5 : i32
    %dma_start3A_80 = arith.constant 0 : i32
    %dma_start3A_81 = arith.constant 0 : i32
    %dma_start3A_82 = tpu.memref_slice %arg6[%dma_start3A_78, %dma_start3A_80, %dma_start3A_81] : memref<10x128x64xf32, #tpu.memory_space<vmem>> -> memref<1x128x64xf32, #tpu.memory_space<vmem>>
    %dma_start3A_83 = tpu.memref_squeeze %dma_start3A_82 : memref<1x128x64xf32, #tpu.memory_space<vmem>> -> memref<128x64xf32, #tpu.memory_space<vmem>>
    %dma_start3A_84 = arith.constant 0 : i32
    %dma_start3A_85 = tpu.memref_slice %arg5[%dma_start3A_77, %dma_start3A_84] : memref<200x128xi32, #tpu.memory_space<vmem>> -> memref<1x128xi32, #tpu.memory_space<vmem>>
    %dma_start3A_86 = tpu.memref_squeeze %dma_start3A_85 : memref<1x128xi32, #tpu.memory_space<vmem>> -> memref<128xi32, #tpu.memory_space<vmem>>
    %dma_start3A_87 = arith.constant 0 : i32
    %dma_start3A_88 = arith.constant 0 : i32
    %dma_start3A_89 = tpu.memref_slice %arg3[%dma_start3A_87, %dma_start3A_88] : memref<100001x64xf32, #tpu.memory_space<hbm>> -> memref<100001x64xf32, #tpu.memory_space<hbm>>
    %dma_start3A_90 = tpu.memref_slice %arg7[%dma_start3A_79] : memref<10x!tpu.dma_semaphore, #tpu.memory_space<semaphore_mem>> -> memref<1x!tpu.dma_semaphore, #tpu.memory_space<semaphore_mem>>
    %dma_start3A_91 = tpu.memref_squeeze %dma_start3A_90 : memref<1x!tpu.dma_semaphore, #tpu.memory_space<semaphore_mem>> -> memref<!tpu.dma_semaphore, #tpu.memory_space<semaphore_mem>>
    tpu.enqueue_indirect_dma source(%dma_start3A_89 : memref<100001x64xf32, #tpu.memory_space<hbm>>) target(%dma_start3A_83 : memref<128x64xf32, #tpu.memory_space<vmem>>) offsets(%dma_start3A_86 : memref<128xi32, #tpu.memory_space<vmem>>) semaphore(%dma_start3A_91 : memref<!tpu.dma_semaphore, #tpu.memory_space<semaphore_mem>>)
    %dma_start3A_92 = arith.constant 6 : i32
    %dma_start3A_93 = arith.constant 6 : i32
    %dma_start3A_94 = arith.constant 6 : i32
    %dma_start3A_95 = arith.constant 0 : i32
    %dma_start3A_96 = arith.constant 0 : i32
    %dma_start3A_97 = tpu.memref_slice %arg6[%dma_start3A_93, %dma_start3A_95, %dma_start3A_96] : memref<10x128x64xf32, #tpu.memory_space<vmem>> -> memref<1x128x64xf32, #tpu.memory_space<vmem>>
    %dma_start3A_98 = tpu.memref_squeeze %dma_start3A_97 : memref<1x128x64xf32, #tpu.memory_space<vmem>> -> memref<128x64xf32, #tpu.memory_space<vmem>>
    %dma_start3A_99 = arith.constant 0 : i32
    %dma_start3A_100 = tpu.memref_slice %arg5[%dma_start3A_92, %dma_start3A_99] : memref<200x128xi32, #tpu.memory_space<vmem>> -> memref<1x128xi32, #tpu.memory_space<vmem>>
    %dma_start3A_101 = tpu.memref_squeeze %dma_start3A_100 : memref<1x128xi32, #tpu.memory_space<vmem>> -> memref<128xi32, #tpu.memory_space<vmem>>
    %dma_start3A_102 = arith.constant 0 : i32
    %dma_start3A_103 = arith.constant 0 : i32
    %dma_start3A_104 = tpu.memref_slice %arg3[%dma_start3A_102, %dma_start3A_103] : memref<100001x64xf32, #tpu.memory_space<hbm>> -> memref<100001x64xf32, #tpu.memory_space<hbm>>
    %dma_start3A_105 = tpu.memref_slice %arg7[%dma_start3A_94] : memref<10x!tpu.dma_semaphore, #tpu.memory_space<semaphore_mem>> -> memref<1x!tpu.dma_semaphore, #tpu.memory_space<semaphore_mem>>
    %dma_start3A_106 = tpu.memref_squeeze %dma_start3A_105 : memref<1x!tpu.dma_semaphore, #tpu.memory_space<semaphore_mem>> -> memref<!tpu.dma_semaphore, #tpu.memory_space<semaphore_mem>>
    tpu.enqueue_indirect_dma source(%dma_start3A_104 : memref<100001x64xf32, #tpu.memory_space<hbm>>) target(%dma_start3A_98 : memref<128x64xf32, #tpu.memory_space<vmem>>) offsets(%dma_start3A_101 : memref<128xi32, #tpu.memory_space<vmem>>) semaphore(%dma_start3A_106 : memref<!tpu.dma_semaphore, #tpu.memory_space<semaphore_mem>>)
    %dma_start3A_107 = arith.constant 7 : i32
    %dma_start3A_108 = arith.constant 7 : i32
    %dma_start3A_109 = arith.constant 7 : i32
    %dma_start3A_110 = arith.constant 0 : i32
    %dma_start3A_111 = arith.constant 0 : i32
    %dma_start3A_112 = tpu.memref_slice %arg6[%dma_start3A_108, %dma_start3A_110, %dma_start3A_111] : memref<10x128x64xf32, #tpu.memory_space<vmem>> -> memref<1x128x64xf32, #tpu.memory_space<vmem>>
    %dma_start3A_113 = tpu.memref_squeeze %dma_start3A_112 : memref<1x128x64xf32, #tpu.memory_space<vmem>> -> memref<128x64xf32, #tpu.memory_space<vmem>>
    %dma_start3A_114 = arith.constant 0 : i32
    %dma_start3A_115 = tpu.memref_slice %arg5[%dma_start3A_107, %dma_start3A_114] : memref<200x128xi32, #tpu.memory_space<vmem>> -> memref<1x128xi32, #tpu.memory_space<vmem>>
    %dma_start3A_116 = tpu.memref_squeeze %dma_start3A_115 : memref<1x128xi32, #tpu.memory_space<vmem>> -> memref<128xi32, #tpu.memory_space<vmem>>
    %dma_start3A_117 = arith.constant 0 : i32
    %dma_start3A_118 = arith.constant 0 : i32
    %dma_start3A_119 = tpu.memref_slice %arg3[%dma_start3A_117, %dma_start3A_118] : memref<100001x64xf32, #tpu.memory_space<hbm>> -> memref<100001x64xf32, #tpu.memory_space<hbm>>
    %dma_start3A_120 = tpu.memref_slice %arg7[%dma_start3A_109] : memref<10x!tpu.dma_semaphore, #tpu.memory_space<semaphore_mem>> -> memref<1x!tpu.dma_semaphore, #tpu.memory_space<semaphore_mem>>
    %dma_start3A_121 = tpu.memref_squeeze %dma_start3A_120 : memref<1x!tpu.dma_semaphore, #tpu.memory_space<semaphore_mem>> -> memref<!tpu.dma_semaphore, #tpu.memory_space<semaphore_mem>>
    tpu.enqueue_indirect_dma source(%dma_start3A_119 : memref<100001x64xf32, #tpu.memory_space<hbm>>) target(%dma_start3A_113 : memref<128x64xf32, #tpu.memory_space<vmem>>) offsets(%dma_start3A_116 : memref<128xi32, #tpu.memory_space<vmem>>) semaphore(%dma_start3A_121 : memref<!tpu.dma_semaphore, #tpu.memory_space<semaphore_mem>>)
    %dma_start3A_122 = arith.constant 8 : i32
    %dma_start3A_123 = arith.constant 8 : i32
    %dma_start3A_124 = arith.constant 8 : i32
    %dma_start3A_125 = arith.constant 0 : i32
    %dma_start3A_126 = arith.constant 0 : i32
    %dma_start3A_127 = tpu.memref_slice %arg6[%dma_start3A_123, %dma_start3A_125, %dma_start3A_126] : memref<10x128x64xf32, #tpu.memory_space<vmem>> -> memref<1x128x64xf32, #tpu.memory_space<vmem>>
    %dma_start3A_128 = tpu.memref_squeeze %dma_start3A_127 : memref<1x128x64xf32, #tpu.memory_space<vmem>> -> memref<128x64xf32, #tpu.memory_space<vmem>>
    %dma_start3A_129 = arith.constant 0 : i32
    %dma_start3A_130 = tpu.memref_slice %arg5[%dma_start3A_122, %dma_start3A_129] : memref<200x128xi32, #tpu.memory_space<vmem>> -> memref<1x128xi32, #tpu.memory_space<vmem>>
    %dma_start3A_131 = tpu.memref_squeeze %dma_start3A_130 : memref<1x128xi32, #tpu.memory_space<vmem>> -> memref<128xi32, #tpu.memory_space<vmem>>
    %dma_start3A_132 = arith.constant 0 : i32
    %dma_start3A_133 = arith.constant 0 : i32
    %dma_start3A_134 = tpu.memref_slice %arg3[%dma_start3A_132, %dma_start3A_133] : memref<100001x64xf32, #tpu.memory_space<hbm>> -> memref<100001x64xf32, #tpu.memory_space<hbm>>
    %dma_start3A_135 = tpu.memref_slice %arg7[%dma_start3A_124] : memref<10x!tpu.dma_semaphore, #tpu.memory_space<semaphore_mem>> -> memref<1x!tpu.dma_semaphore, #tpu.memory_space<semaphore_mem>>
    %dma_start3A_136 = tpu.memref_squeeze %dma_start3A_135 : memref<1x!tpu.dma_semaphore, #tpu.memory_space<semaphore_mem>> -> memref<!tpu.dma_semaphore, #tpu.memory_space<semaphore_mem>>
    tpu.enqueue_indirect_dma source(%dma_start3A_134 : memref<100001x64xf32, #tpu.memory_space<hbm>>) target(%dma_start3A_128 : memref<128x64xf32, #tpu.memory_space<vmem>>) offsets(%dma_start3A_131 : memref<128xi32, #tpu.memory_space<vmem>>) semaphore(%dma_start3A_136 : memref<!tpu.dma_semaphore, #tpu.memory_space<semaphore_mem>>)
    %dma_wait3A = arith.constant 0 : i32
    %dma_wait3A_137 = arith.constant 0 : i32
    %dma_wait3A_138 = arith.constant 0 : i32
    %dma_wait3A_139 = arith.constant 0 : i32
    %dma_wait3A_140 = arith.constant 0 : i32
    %dma_wait3A_141 = tpu.memref_slice %arg6[%dma_wait3A_137, %dma_wait3A_139, %dma_wait3A_140] : memref<10x128x64xf32, #tpu.memory_space<vmem>> -> memref<1x128x64xf32, #tpu.memory_space<vmem>>
    %dma_wait3A_142 = tpu.memref_squeeze %dma_wait3A_141 : memref<1x128x64xf32, #tpu.memory_space<vmem>> -> memref<128x64xf32, #tpu.memory_space<vmem>>
    %dma_wait3A_143 = arith.constant 0 : i32
    %dma_wait3A_144 = tpu.memref_slice %arg5[%dma_wait3A, %dma_wait3A_143] : memref<200x128xi32, #tpu.memory_space<vmem>> -> memref<1x128xi32, #tpu.memory_space<vmem>>
    %dma_wait3A_145 = tpu.memref_squeeze %dma_wait3A_144 : memref<1x128xi32, #tpu.memory_space<vmem>> -> memref<128xi32, #tpu.memory_space<vmem>>
    %dma_wait3A_146 = arith.constant 0 : i32
    %dma_wait3A_147 = arith.constant 0 : i32
    %dma_wait3A_148 = tpu.memref_slice %arg3[%dma_wait3A_146, %dma_wait3A_147] : memref<100001x64xf32, #tpu.memory_space<hbm>> -> memref<100001x64xf32, #tpu.memory_space<hbm>>
    %dma_wait3A_149 = tpu.memref_slice %arg7[%dma_wait3A_138] : memref<10x!tpu.dma_semaphore, #tpu.memory_space<semaphore_mem>> -> memref<1x!tpu.dma_semaphore, #tpu.memory_space<semaphore_mem>>
    %dma_wait3A_150 = tpu.memref_squeeze %dma_wait3A_149 : memref<1x!tpu.dma_semaphore, #tpu.memory_space<semaphore_mem>> -> memref<!tpu.dma_semaphore, #tpu.memory_space<semaphore_mem>>
    tpu.wait_indirect_dma semaphore(%dma_wait3A_150 : memref<!tpu.dma_semaphore, #tpu.memory_space<semaphore_mem>>) src(%dma_wait3A_148 : memref<100001x64xf32, #tpu.memory_space<hbm>>) dst(%dma_wait3A_142 : memref<128x64xf32, #tpu.memory_space<vmem>>)
    %add3A_151 = arith.constant 0 : i32
    %add3A_152 = arith.addi %mul3A_2, %add3A_151 : i32
    %dma_start3A_153 = arith.constant 0 : i32
    %dma_start3A_154 = arith.constant 0 : i32
    %dma_start3A_155 = arith.constant 0 : i32
    %dma_start3A_156 = arith.constant 0 : i32
    %dma_start3A_157 = tpu.memref_slice %arg6[%dma_start3A_153, %dma_start3A_155, %dma_start3A_156] : memref<10x128x64xf32, #tpu.memory_space<vmem>> -> memref<1x128x64xf32, #tpu.memory_space<vmem>>
    %dma_start3A_158 = tpu.memref_squeeze %dma_start3A_157 : memref<1x128x64xf32, #tpu.memory_space<vmem>> -> memref<128x64xf32, #tpu.memory_space<vmem>>
    %dma_start3A_159 = arith.constant 0 : i32
    %dma_start3A_160 = arith.constant 0 : i32
    %dma_start3A_161 = tpu.memref_slice %arg4[%add3A_152, %dma_start3A_159, %dma_start3A_160] : memref<6400x128x128xf32, #tpu.memory_space<hbm>> -> memref<1x128x128xf32, #tpu.memory_space<hbm>>
    %dma_start3A_162 = tpu.memref_squeeze %dma_start3A_161 : memref<1x128x128xf32, #tpu.memory_space<hbm>> -> memref<128x128xf32, #tpu.memory_space<hbm>>
    %dma_start3A_163 = arith.constant 0 : i32
    %dma_start3A_164 = arith.constant 0 : i32
    %dma_start3A_165 = tpu.memref_slice %dma_start3A_162[%dma_start3A_163, %dma_start3A_164] : memref<128x128xf32, #tpu.memory_space<hbm>> -> memref<128x64xf32, #tpu.memory_space<hbm>>
    %dma_start3A_166 = tpu.memref_slice %arg8[%dma_start3A_154] : memref<10x!tpu.dma_semaphore, #tpu.memory_space<semaphore_mem>> -> memref<1x!tpu.dma_semaphore, #tpu.memory_space<semaphore_mem>>
    %dma_start3A_167 = tpu.memref_squeeze %dma_start3A_166 : memref<1x!tpu.dma_semaphore, #tpu.memory_space<semaphore_mem>> -> memref<!tpu.dma_semaphore, #tpu.memory_space<semaphore_mem>>
    %dma_start3A_168 = arith.constant 0 : i32
    %dma_start3A_169 = arith.constant 0 : i32
    %dma_start3A_170 = tpu.memref_slice %arg4[%add3A_152, %dma_start3A_168, %dma_start3A_169] : memref<6400x128x128xf32, #tpu.memory_space<hbm>> -> memref<1x128x128xf32, #tpu.memory_space<hbm>>
    %dma_start3A_171 = tpu.memref_squeeze %dma_start3A_170 : memref<1x128x128xf32, #tpu.memory_space<hbm>> -> memref<128x128xf32, #tpu.memory_space<hbm>>
    %dma_start3A_172 = arith.constant 0 : i32
    %dma_start3A_173 = arith.constant 0 : i32
    %dma_start3A_174 = tpu.memref_slice %dma_start3A_171[%dma_start3A_172, %dma_start3A_173] : memref<128x128xf32, #tpu.memory_space<hbm>> -> memref<128x64xf32, #tpu.memory_space<hbm>>
    %dma_start3A_175 = arith.constant 0 : i32
    %dma_start3A_176 = arith.constant 0 : i32
    %dma_start3A_177 = tpu.memref_slice %arg6[%dma_start3A_153, %dma_start3A_175, %dma_start3A_176] : memref<10x128x64xf32, #tpu.memory_space<vmem>> -> memref<1x128x64xf32, #tpu.memory_space<vmem>>
    %dma_start3A_178 = tpu.memref_squeeze %dma_start3A_177 : memref<1x128x64xf32, #tpu.memory_space<vmem>> -> memref<128x64xf32, #tpu.memory_space<vmem>>
    tpu.enqueue_dma source(%dma_start3A_178 : memref<128x64xf32, #tpu.memory_space<vmem>>) target(%dma_start3A_174 : memref<128x64xf32, #tpu.memory_space<hbm>>) target_semaphore(%dma_start3A_167 : memref<!tpu.dma_semaphore, #tpu.memory_space<semaphore_mem>>)
    %dma_start3A_179 = arith.constant 9 : i32
    %dma_start3A_180 = arith.constant 9 : i32
    %dma_start3A_181 = arith.constant 9 : i32
    %dma_start3A_182 = arith.constant 0 : i32
    %dma_start3A_183 = arith.constant 0 : i32
    %dma_start3A_184 = tpu.memref_slice %arg6[%dma_start3A_180, %dma_start3A_182, %dma_start3A_183] : memref<10x128x64xf32, #tpu.memory_space<vmem>> -> memref<1x128x64xf32, #tpu.memory_space<vmem>>
    %dma_start3A_185 = tpu.memref_squeeze %dma_start3A_184 : memref<1x128x64xf32, #tpu.memory_space<vmem>> -> memref<128x64xf32, #tpu.memory_space<vmem>>
    %dma_start3A_186 = arith.constant 0 : i32
    %dma_start3A_187 = tpu.memref_slice %arg5[%dma_start3A_179, %dma_start3A_186] : memref<200x128xi32, #tpu.memory_space<vmem>> -> memref<1x128xi32, #tpu.memory_space<vmem>>
    %dma_start3A_188 = tpu.memref_squeeze %dma_start3A_187 : memref<1x128xi32, #tpu.memory_space<vmem>> -> memref<128xi32, #tpu.memory_space<vmem>>
    %dma_start3A_189 = arith.constant 0 : i32
    %dma_start3A_190 = arith.constant 0 : i32
    %dma_start3A_191 = tpu.memref_slice %arg3[%dma_start3A_189, %dma_start3A_190] : memref<100001x64xf32, #tpu.memory_space<hbm>> -> memref<100001x64xf32, #tpu.memory_space<hbm>>
    %dma_start3A_192 = tpu.memref_slice %arg7[%dma_start3A_181] : memref<10x!tpu.dma_semaphore, #tpu.memory_space<semaphore_mem>> -> memref<1x!tpu.dma_semaphore, #tpu.memory_space<semaphore_mem>>
    %dma_start3A_193 = tpu.memref_squeeze %dma_start3A_192 : memref<1x!tpu.dma_semaphore, #tpu.memory_space<semaphore_mem>> -> memref<!tpu.dma_semaphore, #tpu.memory_space<semaphore_mem>>
    tpu.enqueue_indirect_dma source(%dma_start3A_191 : memref<100001x64xf32, #tpu.memory_space<hbm>>) target(%dma_start3A_185 : memref<128x64xf32, #tpu.memory_space<vmem>>) offsets(%dma_start3A_188 : memref<128xi32, #tpu.memory_space<vmem>>) semaphore(%dma_start3A_193 : memref<!tpu.dma_semaphore, #tpu.memory_space<semaphore_mem>>)
    %scan3A = arith.constant 0 : i32
    %scan3A_194 = arith.constant 1 : i32
    %scan3A_195 = arith.constant 190 : i32
    %scan3A_196 = arith.addi %scan3A_194, %scan3A_195 : i32
    %scan3A_197 = arith.constant 1 : i32
    scf.for %scan3A_866 = %scan3A_194 to %scan3A_196 step %scan3A_197  : i32 {
      %rem3A = arith.constant 10 : i32
      %rem3A_867 = arith.remsi %scan3A_866, %rem3A : i32
      %dma_wait3A_868 = arith.constant 0 : i32
      %dma_wait3A_869 = arith.constant 0 : i32
      %dma_wait3A_870 = tpu.memref_slice %arg6[%rem3A_867, %dma_wait3A_868, %dma_wait3A_869] : memref<10x128x64xf32, #tpu.memory_space<vmem>> -> memref<1x128x64xf32, #tpu.memory_space<vmem>>
      %dma_wait3A_871 = tpu.memref_squeeze %dma_wait3A_870 : memref<1x128x64xf32, #tpu.memory_space<vmem>> -> memref<128x64xf32, #tpu.memory_space<vmem>>
      %dma_wait3A_872 = arith.constant 0 : i32
      %dma_wait3A_873 = tpu.memref_slice %arg5[%scan3A_866, %dma_wait3A_872] : memref<200x128xi32, #tpu.memory_space<vmem>> -> memref<1x128xi32, #tpu.memory_space<vmem>>
      %dma_wait3A_874 = tpu.memref_squeeze %dma_wait3A_873 : memref<1x128xi32, #tpu.memory_space<vmem>> -> memref<128xi32, #tpu.memory_space<vmem>>
      %dma_wait3A_875 = arith.constant 0 : i32
      %dma_wait3A_876 = arith.constant 0 : i32
      %dma_wait3A_877 = tpu.memref_slice %arg3[%dma_wait3A_875, %dma_wait3A_876] : memref<100001x64xf32, #tpu.memory_space<hbm>> -> memref<100001x64xf32, #tpu.memory_space<hbm>>
      %dma_wait3A_878 = tpu.memref_slice %arg7[%rem3A_867] : memref<10x!tpu.dma_semaphore, #tpu.memory_space<semaphore_mem>> -> memref<1x!tpu.dma_semaphore, #tpu.memory_space<semaphore_mem>>
      %dma_wait3A_879 = tpu.memref_squeeze %dma_wait3A_878 : memref<1x!tpu.dma_semaphore, #tpu.memory_space<semaphore_mem>> -> memref<!tpu.dma_semaphore, #tpu.memory_space<semaphore_mem>>
      tpu.wait_indirect_dma semaphore(%dma_wait3A_879 : memref<!tpu.dma_semaphore, #tpu.memory_space<semaphore_mem>>) src(%dma_wait3A_877 : memref<100001x64xf32, #tpu.memory_space<hbm>>) dst(%dma_wait3A_871 : memref<128x64xf32, #tpu.memory_space<vmem>>)
      %add3A_880 = arith.addi %mul3A_2, %scan3A_866 : i32
      %dma_start3A_881 = arith.constant 0 : i32
      %dma_start3A_882 = arith.constant 0 : i32
      %dma_start3A_883 = tpu.memref_slice %arg6[%rem3A_867, %dma_start3A_881, %dma_start3A_882] : memref<10x128x64xf32, #tpu.memory_space<vmem>> -> memref<1x128x64xf32, #tpu.memory_space<vmem>>
      %dma_start3A_884 = tpu.memref_squeeze %dma_start3A_883 : memref<1x128x64xf32, #tpu.memory_space<vmem>> -> memref<128x64xf32, #tpu.memory_space<vmem>>
      %dma_start3A_885 = arith.constant 0 : i32
      %dma_start3A_886 = arith.constant 0 : i32
      %dma_start3A_887 = tpu.memref_slice %arg4[%add3A_880, %dma_start3A_885, %dma_start3A_886] : memref<6400x128x128xf32, #tpu.memory_space<hbm>> -> memref<1x128x128xf32, #tpu.memory_space<hbm>>
      %dma_start3A_888 = tpu.memref_squeeze %dma_start3A_887 : memref<1x128x128xf32, #tpu.memory_space<hbm>> -> memref<128x128xf32, #tpu.memory_space<hbm>>
      %dma_start3A_889 = arith.constant 0 : i32
      %dma_start3A_890 = arith.constant 0 : i32
      %dma_start3A_891 = tpu.memref_slice %dma_start3A_888[%dma_start3A_889, %dma_start3A_890] : memref<128x128xf32, #tpu.memory_space<hbm>> -> memref<128x64xf32, #tpu.memory_space<hbm>>
      %dma_start3A_892 = tpu.memref_slice %arg8[%rem3A_867] : memref<10x!tpu.dma_semaphore, #tpu.memory_space<semaphore_mem>> -> memref<1x!tpu.dma_semaphore, #tpu.memory_space<semaphore_mem>>
      %dma_start3A_893 = tpu.memref_squeeze %dma_start3A_892 : memref<1x!tpu.dma_semaphore, #tpu.memory_space<semaphore_mem>> -> memref<!tpu.dma_semaphore, #tpu.memory_space<semaphore_mem>>
      %dma_start3A_894 = arith.constant 0 : i32
      %dma_start3A_895 = arith.constant 0 : i32
      %dma_start3A_896 = tpu.memref_slice %arg4[%add3A_880, %dma_start3A_894, %dma_start3A_895] : memref<6400x128x128xf32, #tpu.memory_space<hbm>> -> memref<1x128x128xf32, #tpu.memory_space<hbm>>
      %dma_start3A_897 = tpu.memref_squeeze %dma_start3A_896 : memref<1x128x128xf32, #tpu.memory_space<hbm>> -> memref<128x128xf32, #tpu.memory_space<hbm>>
      %dma_start3A_898 = arith.constant 0 : i32
      %dma_start3A_899 = arith.constant 0 : i32
      %dma_start3A_900 = tpu.memref_slice %dma_start3A_897[%dma_start3A_898, %dma_start3A_899] : memref<128x128xf32, #tpu.memory_space<hbm>> -> memref<128x64xf32, #tpu.memory_space<hbm>>
      %dma_start3A_901 = arith.constant 0 : i32
      %dma_start3A_902 = arith.constant 0 : i32
      %dma_start3A_903 = tpu.memref_slice %arg6[%rem3A_867, %dma_start3A_901, %dma_start3A_902] : memref<10x128x64xf32, #tpu.memory_space<vmem>> -> memref<1x128x64xf32, #tpu.memory_space<vmem>>
      %dma_start3A_904 = tpu.memref_squeeze %dma_start3A_903 : memref<1x128x64xf32, #tpu.memory_space<vmem>> -> memref<128x64xf32, #tpu.memory_space<vmem>>
      tpu.enqueue_dma source(%dma_start3A_904 : memref<128x64xf32, #tpu.memory_space<vmem>>) target(%dma_start3A_900 : memref<128x64xf32, #tpu.memory_space<hbm>>) target_semaphore(%dma_start3A_893 : memref<!tpu.dma_semaphore, #tpu.memory_space<semaphore_mem>>)
      %add3A_905 = arith.constant 10 : i32
      %add3A_906 = arith.addi %scan3A_866, %add3A_905 : i32
      %sub3A = arith.constant 1 : i32
      %sub3A_907 = arith.subi %add3A_906, %sub3A : i32
      %rem3A_908 = arith.constant 10 : i32
      %rem3A_909 = arith.remsi %sub3A_907, %rem3A_908 : i32
      %sub3A_910 = arith.constant 1 : i32
      %sub3A_911 = arith.subi %scan3A_866, %sub3A_910 : i32
      %add3A_912 = arith.addi %mul3A_2, %sub3A_911 : i32
      %dma_wait3A_913 = arith.constant 0 : i32
      %dma_wait3A_914 = arith.constant 0 : i32
      %dma_wait3A_915 = tpu.memref_slice %arg6[%rem3A_909, %dma_wait3A_913, %dma_wait3A_914] : memref<10x128x64xf32, #tpu.memory_space<vmem>> -> memref<1x128x64xf32, #tpu.memory_space<vmem>>
      %dma_wait3A_916 = tpu.memref_squeeze %dma_wait3A_915 : memref<1x128x64xf32, #tpu.memory_space<vmem>> -> memref<128x64xf32, #tpu.memory_space<vmem>>
      %dma_wait3A_917 = arith.constant 0 : i32
      %dma_wait3A_918 = arith.constant 0 : i32
      %dma_wait3A_919 = tpu.memref_slice %arg4[%add3A_912, %dma_wait3A_917, %dma_wait3A_918] : memref<6400x128x128xf32, #tpu.memory_space<hbm>> -> memref<1x128x128xf32, #tpu.memory_space<hbm>>
      %dma_wait3A_920 = tpu.memref_squeeze %dma_wait3A_919 : memref<1x128x128xf32, #tpu.memory_space<hbm>> -> memref<128x128xf32, #tpu.memory_space<hbm>>
      %dma_wait3A_921 = arith.constant 0 : i32
      %dma_wait3A_922 = arith.constant 0 : i32
      %dma_wait3A_923 = tpu.memref_slice %dma_wait3A_920[%dma_wait3A_921, %dma_wait3A_922] : memref<128x128xf32, #tpu.memory_space<hbm>> -> memref<128x64xf32, #tpu.memory_space<hbm>>
      %dma_wait3A_924 = tpu.memref_slice %arg8[%rem3A_909] : memref<10x!tpu.dma_semaphore, #tpu.memory_space<semaphore_mem>> -> memref<1x!tpu.dma_semaphore, #tpu.memory_space<semaphore_mem>>
      %dma_wait3A_925 = tpu.memref_squeeze %dma_wait3A_924 : memref<1x!tpu.dma_semaphore, #tpu.memory_space<semaphore_mem>> -> memref<!tpu.dma_semaphore, #tpu.memory_space<semaphore_mem>>
      %dma_wait3A_926 = arith.constant 0 : i32
      %dma_wait3A_927 = arith.constant 0 : i32
      %dma_wait3A_928 = tpu.memref_slice %arg4[%add3A_912, %dma_wait3A_926, %dma_wait3A_927] : memref<6400x128x128xf32, #tpu.memory_space<hbm>> -> memref<1x128x128xf32, #tpu.memory_space<hbm>>
      %dma_wait3A_929 = tpu.memref_squeeze %dma_wait3A_928 : memref<1x128x128xf32, #tpu.memory_space<hbm>> -> memref<128x128xf32, #tpu.memory_space<hbm>>
      %dma_wait3A_930 = arith.constant 0 : i32
      %dma_wait3A_931 = arith.constant 0 : i32
      %dma_wait3A_932 = tpu.memref_slice %dma_wait3A_929[%dma_wait3A_930, %dma_wait3A_931] : memref<128x128xf32, #tpu.memory_space<hbm>> -> memref<128x64xf32, #tpu.memory_space<hbm>>
      %dma_wait3A_933 = arith.constant 0 : i32
      %dma_wait3A_934 = arith.constant 0 : i32
      %dma_wait3A_935 = tpu.memref_slice %arg6[%rem3A_909, %dma_wait3A_933, %dma_wait3A_934] : memref<10x128x64xf32, #tpu.memory_space<vmem>> -> memref<1x128x64xf32, #tpu.memory_space<vmem>>
      %dma_wait3A_936 = tpu.memref_squeeze %dma_wait3A_935 : memref<1x128x64xf32, #tpu.memory_space<vmem>> -> memref<128x64xf32, #tpu.memory_space<vmem>>
      tpu.wait_dma2 semaphore(%dma_wait3A_925 : memref<!tpu.dma_semaphore, #tpu.memory_space<semaphore_mem>>) src(%dma_wait3A_936 : memref<128x64xf32, #tpu.memory_space<vmem>>) dst(%dma_wait3A_932 : memref<128x64xf32, #tpu.memory_space<hbm>>)
      %add3A_937 = arith.constant 10 : i32
      %add3A_938 = arith.addi %scan3A_866, %add3A_937 : i32
      %sub3A_939 = arith.constant 1 : i32
      %sub3A_940 = arith.subi %add3A_938, %sub3A_939 : i32
      %dma_start3A_941 = arith.constant 0 : i32
      %dma_start3A_942 = arith.constant 0 : i32
      %dma_start3A_943 = tpu.memref_slice %arg6[%rem3A_909, %dma_start3A_941, %dma_start3A_942] : memref<10x128x64xf32, #tpu.memory_space<vmem>> -> memref<1x128x64xf32, #tpu.memory_space<vmem>>
      %dma_start3A_944 = tpu.memref_squeeze %dma_start3A_943 : memref<1x128x64xf32, #tpu.memory_space<vmem>> -> memref<128x64xf32, #tpu.memory_space<vmem>>
      %dma_start3A_945 = arith.constant 0 : i32
      %dma_start3A_946 = tpu.memref_slice %arg5[%sub3A_940, %dma_start3A_945] : memref<200x128xi32, #tpu.memory_space<vmem>> -> memref<1x128xi32, #tpu.memory_space<vmem>>
      %dma_start3A_947 = tpu.memref_squeeze %dma_start3A_946 : memref<1x128xi32, #tpu.memory_space<vmem>> -> memref<128xi32, #tpu.memory_space<vmem>>
      %dma_start3A_948 = arith.constant 0 : i32
      %dma_start3A_949 = arith.constant 0 : i32
      %dma_start3A_950 = tpu.memref_slice %arg3[%dma_start3A_948, %dma_start3A_949] : memref<100001x64xf32, #tpu.memory_space<hbm>> -> memref<100001x64xf32, #tpu.memory_space<hbm>>
      %dma_start3A_951 = tpu.memref_slice %arg7[%rem3A_909] : memref<10x!tpu.dma_semaphore, #tpu.memory_space<semaphore_mem>> -> memref<1x!tpu.dma_semaphore, #tpu.memory_space<semaphore_mem>>
      %dma_start3A_952 = tpu.memref_squeeze %dma_start3A_951 : memref<1x!tpu.dma_semaphore, #tpu.memory_space<semaphore_mem>> -> memref<!tpu.dma_semaphore, #tpu.memory_space<semaphore_mem>>
      tpu.enqueue_indirect_dma source(%dma_start3A_950 : memref<100001x64xf32, #tpu.memory_space<hbm>>) target(%dma_start3A_944 : memref<128x64xf32, #tpu.memory_space<vmem>>) offsets(%dma_start3A_947 : memref<128xi32, #tpu.memory_space<vmem>>) semaphore(%dma_start3A_952 : memref<!tpu.dma_semaphore, #tpu.memory_space<semaphore_mem>>)
    }
    %scan3A_198 = arith.constant 190 : i32
    %dma_wait3A_199 = arith.constant 191 : i32
    %dma_wait3A_200 = arith.constant 1 : i32
    %dma_wait3A_201 = arith.constant 1 : i32
    %dma_wait3A_202 = arith.constant 0 : i32
    %dma_wait3A_203 = arith.constant 0 : i32
    %dma_wait3A_204 = tpu.memref_slice %arg6[%dma_wait3A_200, %dma_wait3A_202, %dma_wait3A_203] : memref<10x128x64xf32, #tpu.memory_space<vmem>> -> memref<1x128x64xf32, #tpu.memory_space<vmem>>
    %dma_wait3A_205 = tpu.memref_squeeze %dma_wait3A_204 : memref<1x128x64xf32, #tpu.memory_space<vmem>> -> memref<128x64xf32, #tpu.memory_space<vmem>>
    %dma_wait3A_206 = arith.constant 0 : i32
    %dma_wait3A_207 = tpu.memref_slice %arg5[%dma_wait3A_199, %dma_wait3A_206] : memref<200x128xi32, #tpu.memory_space<vmem>> -> memref<1x128xi32, #tpu.memory_space<vmem>>
    %dma_wait3A_208 = tpu.memref_squeeze %dma_wait3A_207 : memref<1x128xi32, #tpu.memory_space<vmem>> -> memref<128xi32, #tpu.memory_space<vmem>>
    %dma_wait3A_209 = arith.constant 0 : i32
    %dma_wait3A_210 = arith.constant 0 : i32
    %dma_wait3A_211 = tpu.memref_slice %arg3[%dma_wait3A_209, %dma_wait3A_210] : memref<100001x64xf32, #tpu.memory_space<hbm>> -> memref<100001x64xf32, #tpu.memory_space<hbm>>
    %dma_wait3A_212 = tpu.memref_slice %arg7[%dma_wait3A_201] : memref<10x!tpu.dma_semaphore, #tpu.memory_space<semaphore_mem>> -> memref<1x!tpu.dma_semaphore, #tpu.memory_space<semaphore_mem>>
    %dma_wait3A_213 = tpu.memref_squeeze %dma_wait3A_212 : memref<1x!tpu.dma_semaphore, #tpu.memory_space<semaphore_mem>> -> memref<!tpu.dma_semaphore, #tpu.memory_space<semaphore_mem>>
    tpu.wait_indirect_dma semaphore(%dma_wait3A_213 : memref<!tpu.dma_semaphore, #tpu.memory_space<semaphore_mem>>) src(%dma_wait3A_211 : memref<100001x64xf32, #tpu.memory_space<hbm>>) dst(%dma_wait3A_205 : memref<128x64xf32, #tpu.memory_space<vmem>>)
    %add3A_214 = arith.constant 191 : i32
    %add3A_215 = arith.addi %mul3A_2, %add3A_214 : i32
    %dma_start3A_216 = arith.constant 1 : i32
    %dma_start3A_217 = arith.constant 1 : i32
    %dma_start3A_218 = arith.constant 0 : i32
    %dma_start3A_219 = arith.constant 0 : i32
    %dma_start3A_220 = tpu.memref_slice %arg6[%dma_start3A_216, %dma_start3A_218, %dma_start3A_219] : memref<10x128x64xf32, #tpu.memory_space<vmem>> -> memref<1x128x64xf32, #tpu.memory_space<vmem>>
    %dma_start3A_221 = tpu.memref_squeeze %dma_start3A_220 : memref<1x128x64xf32, #tpu.memory_space<vmem>> -> memref<128x64xf32, #tpu.memory_space<vmem>>
    %dma_start3A_222 = arith.constant 0 : i32
    %dma_start3A_223 = arith.constant 0 : i32
    %dma_start3A_224 = tpu.memref_slice %arg4[%add3A_215, %dma_start3A_222, %dma_start3A_223] : memref<6400x128x128xf32, #tpu.memory_space<hbm>> -> memref<1x128x128xf32, #tpu.memory_space<hbm>>
    %dma_start3A_225 = tpu.memref_squeeze %dma_start3A_224 : memref<1x128x128xf32, #tpu.memory_space<hbm>> -> memref<128x128xf32, #tpu.memory_space<hbm>>
    %dma_start3A_226 = arith.constant 0 : i32
    %dma_start3A_227 = arith.constant 0 : i32
    %dma_start3A_228 = tpu.memref_slice %dma_start3A_225[%dma_start3A_226, %dma_start3A_227] : memref<128x128xf32, #tpu.memory_space<hbm>> -> memref<128x64xf32, #tpu.memory_space<hbm>>
    %dma_start3A_229 = tpu.memref_slice %arg8[%dma_start3A_217] : memref<10x!tpu.dma_semaphore, #tpu.memory_space<semaphore_mem>> -> memref<1x!tpu.dma_semaphore, #tpu.memory_space<semaphore_mem>>
    %dma_start3A_230 = tpu.memref_squeeze %dma_start3A_229 : memref<1x!tpu.dma_semaphore, #tpu.memory_space<semaphore_mem>> -> memref<!tpu.dma_semaphore, #tpu.memory_space<semaphore_mem>>
    %dma_start3A_231 = arith.constant 0 : i32
    %dma_start3A_232 = arith.constant 0 : i32
    %dma_start3A_233 = tpu.memref_slice %arg4[%add3A_215, %dma_start3A_231, %dma_start3A_232] : memref<6400x128x128xf32, #tpu.memory_space<hbm>> -> memref<1x128x128xf32, #tpu.memory_space<hbm>>
    %dma_start3A_234 = tpu.memref_squeeze %dma_start3A_233 : memref<1x128x128xf32, #tpu.memory_space<hbm>> -> memref<128x128xf32, #tpu.memory_space<hbm>>
    %dma_start3A_235 = arith.constant 0 : i32
    %dma_start3A_236 = arith.constant 0 : i32
    %dma_start3A_237 = tpu.memref_slice %dma_start3A_234[%dma_start3A_235, %dma_start3A_236] : memref<128x128xf32, #tpu.memory_space<hbm>> -> memref<128x64xf32, #tpu.memory_space<hbm>>
    %dma_start3A_238 = arith.constant 0 : i32
    %dma_start3A_239 = arith.constant 0 : i32
    %dma_start3A_240 = tpu.memref_slice %arg6[%dma_start3A_216, %dma_start3A_238, %dma_start3A_239] : memref<10x128x64xf32, #tpu.memory_space<vmem>> -> memref<1x128x64xf32, #tpu.memory_space<vmem>>
    %dma_start3A_241 = tpu.memref_squeeze %dma_start3A_240 : memref<1x128x64xf32, #tpu.memory_space<vmem>> -> memref<128x64xf32, #tpu.memory_space<vmem>>
    tpu.enqueue_dma source(%dma_start3A_241 : memref<128x64xf32, #tpu.memory_space<vmem>>) target(%dma_start3A_237 : memref<128x64xf32, #tpu.memory_space<hbm>>) target_semaphore(%dma_start3A_230 : memref<!tpu.dma_semaphore, #tpu.memory_space<semaphore_mem>>)
    %dma_wait3A_242 = arith.constant 192 : i32
    %dma_wait3A_243 = arith.constant 2 : i32
    %dma_wait3A_244 = arith.constant 2 : i32
    %dma_wait3A_245 = arith.constant 0 : i32
    %dma_wait3A_246 = arith.constant 0 : i32
    %dma_wait3A_247 = tpu.memref_slice %arg6[%dma_wait3A_243, %dma_wait3A_245, %dma_wait3A_246] : memref<10x128x64xf32, #tpu.memory_space<vmem>> -> memref<1x128x64xf32, #tpu.memory_space<vmem>>
    %dma_wait3A_248 = tpu.memref_squeeze %dma_wait3A_247 : memref<1x128x64xf32, #tpu.memory_space<vmem>> -> memref<128x64xf32, #tpu.memory_space<vmem>>
    %dma_wait3A_249 = arith.constant 0 : i32
    %dma_wait3A_250 = tpu.memref_slice %arg5[%dma_wait3A_242, %dma_wait3A_249] : memref<200x128xi32, #tpu.memory_space<vmem>> -> memref<1x128xi32, #tpu.memory_space<vmem>>
    %dma_wait3A_251 = tpu.memref_squeeze %dma_wait3A_250 : memref<1x128xi32, #tpu.memory_space<vmem>> -> memref<128xi32, #tpu.memory_space<vmem>>
    %dma_wait3A_252 = arith.constant 0 : i32
    %dma_wait3A_253 = arith.constant 0 : i32
    %dma_wait3A_254 = tpu.memref_slice %arg3[%dma_wait3A_252, %dma_wait3A_253] : memref<100001x64xf32, #tpu.memory_space<hbm>> -> memref<100001x64xf32, #tpu.memory_space<hbm>>
    %dma_wait3A_255 = tpu.memref_slice %arg7[%dma_wait3A_244] : memref<10x!tpu.dma_semaphore, #tpu.memory_space<semaphore_mem>> -> memref<1x!tpu.dma_semaphore, #tpu.memory_space<semaphore_mem>>
    %dma_wait3A_256 = tpu.memref_squeeze %dma_wait3A_255 : memref<1x!tpu.dma_semaphore, #tpu.memory_space<semaphore_mem>> -> memref<!tpu.dma_semaphore, #tpu.memory_space<semaphore_mem>>
    tpu.wait_indirect_dma semaphore(%dma_wait3A_256 : memref<!tpu.dma_semaphore, #tpu.memory_space<semaphore_mem>>) src(%dma_wait3A_254 : memref<100001x64xf32, #tpu.memory_space<hbm>>) dst(%dma_wait3A_248 : memref<128x64xf32, #tpu.memory_space<vmem>>)
    %add3A_257 = arith.constant 192 : i32
    %add3A_258 = arith.addi %mul3A_2, %add3A_257 : i32
    %dma_start3A_259 = arith.constant 2 : i32
    %dma_start3A_260 = arith.constant 2 : i32
    %dma_start3A_261 = arith.constant 0 : i32
    %dma_start3A_262 = arith.constant 0 : i32
    %dma_start3A_263 = tpu.memref_slice %arg6[%dma_start3A_259, %dma_start3A_261, %dma_start3A_262] : memref<10x128x64xf32, #tpu.memory_space<vmem>> -> memref<1x128x64xf32, #tpu.memory_space<vmem>>
    %dma_start3A_264 = tpu.memref_squeeze %dma_start3A_263 : memref<1x128x64xf32, #tpu.memory_space<vmem>> -> memref<128x64xf32, #tpu.memory_space<vmem>>
    %dma_start3A_265 = arith.constant 0 : i32
    %dma_start3A_266 = arith.constant 0 : i32
    %dma_start3A_267 = tpu.memref_slice %arg4[%add3A_258, %dma_start3A_265, %dma_start3A_266] : memref<6400x128x128xf32, #tpu.memory_space<hbm>> -> memref<1x128x128xf32, #tpu.memory_space<hbm>>
    %dma_start3A_268 = tpu.memref_squeeze %dma_start3A_267 : memref<1x128x128xf32, #tpu.memory_space<hbm>> -> memref<128x128xf32, #tpu.memory_space<hbm>>
    %dma_start3A_269 = arith.constant 0 : i32
    %dma_start3A_270 = arith.constant 0 : i32
    %dma_start3A_271 = tpu.memref_slice %dma_start3A_268[%dma_start3A_269, %dma_start3A_270] : memref<128x128xf32, #tpu.memory_space<hbm>> -> memref<128x64xf32, #tpu.memory_space<hbm>>
    %dma_start3A_272 = tpu.memref_slice %arg8[%dma_start3A_260] : memref<10x!tpu.dma_semaphore, #tpu.memory_space<semaphore_mem>> -> memref<1x!tpu.dma_semaphore, #tpu.memory_space<semaphore_mem>>
    %dma_start3A_273 = tpu.memref_squeeze %dma_start3A_272 : memref<1x!tpu.dma_semaphore, #tpu.memory_space<semaphore_mem>> -> memref<!tpu.dma_semaphore, #tpu.memory_space<semaphore_mem>>
    %dma_start3A_274 = arith.constant 0 : i32
    %dma_start3A_275 = arith.constant 0 : i32
    %dma_start3A_276 = tpu.memref_slice %arg4[%add3A_258, %dma_start3A_274, %dma_start3A_275] : memref<6400x128x128xf32, #tpu.memory_space<hbm>> -> memref<1x128x128xf32, #tpu.memory_space<hbm>>
    %dma_start3A_277 = tpu.memref_squeeze %dma_start3A_276 : memref<1x128x128xf32, #tpu.memory_space<hbm>> -> memref<128x128xf32, #tpu.memory_space<hbm>>
    %dma_start3A_278 = arith.constant 0 : i32
    %dma_start3A_279 = arith.constant 0 : i32
    %dma_start3A_280 = tpu.memref_slice %dma_start3A_277[%dma_start3A_278, %dma_start3A_279] : memref<128x128xf32, #tpu.memory_space<hbm>> -> memref<128x64xf32, #tpu.memory_space<hbm>>
    %dma_start3A_281 = arith.constant 0 : i32
    %dma_start3A_282 = arith.constant 0 : i32
    %dma_start3A_283 = tpu.memref_slice %arg6[%dma_start3A_259, %dma_start3A_281, %dma_start3A_282] : memref<10x128x64xf32, #tpu.memory_space<vmem>> -> memref<1x128x64xf32, #tpu.memory_space<vmem>>
    %dma_start3A_284 = tpu.memref_squeeze %dma_start3A_283 : memref<1x128x64xf32, #tpu.memory_space<vmem>> -> memref<128x64xf32, #tpu.memory_space<vmem>>
    tpu.enqueue_dma source(%dma_start3A_284 : memref<128x64xf32, #tpu.memory_space<vmem>>) target(%dma_start3A_280 : memref<128x64xf32, #tpu.memory_space<hbm>>) target_semaphore(%dma_start3A_273 : memref<!tpu.dma_semaphore, #tpu.memory_space<semaphore_mem>>)
    %dma_wait3A_285 = arith.constant 193 : i32
    %dma_wait3A_286 = arith.constant 3 : i32
    %dma_wait3A_287 = arith.constant 3 : i32
    %dma_wait3A_288 = arith.constant 0 : i32
    %dma_wait3A_289 = arith.constant 0 : i32
    %dma_wait3A_290 = tpu.memref_slice %arg6[%dma_wait3A_286, %dma_wait3A_288, %dma_wait3A_289] : memref<10x128x64xf32, #tpu.memory_space<vmem>> -> memref<1x128x64xf32, #tpu.memory_space<vmem>>
    %dma_wait3A_291 = tpu.memref_squeeze %dma_wait3A_290 : memref<1x128x64xf32, #tpu.memory_space<vmem>> -> memref<128x64xf32, #tpu.memory_space<vmem>>
    %dma_wait3A_292 = arith.constant 0 : i32
    %dma_wait3A_293 = tpu.memref_slice %arg5[%dma_wait3A_285, %dma_wait3A_292] : memref<200x128xi32, #tpu.memory_space<vmem>> -> memref<1x128xi32, #tpu.memory_space<vmem>>
    %dma_wait3A_294 = tpu.memref_squeeze %dma_wait3A_293 : memref<1x128xi32, #tpu.memory_space<vmem>> -> memref<128xi32, #tpu.memory_space<vmem>>
    %dma_wait3A_295 = arith.constant 0 : i32
    %dma_wait3A_296 = arith.constant 0 : i32
    %dma_wait3A_297 = tpu.memref_slice %arg3[%dma_wait3A_295, %dma_wait3A_296] : memref<100001x64xf32, #tpu.memory_space<hbm>> -> memref<100001x64xf32, #tpu.memory_space<hbm>>
    %dma_wait3A_298 = tpu.memref_slice %arg7[%dma_wait3A_287] : memref<10x!tpu.dma_semaphore, #tpu.memory_space<semaphore_mem>> -> memref<1x!tpu.dma_semaphore, #tpu.memory_space<semaphore_mem>>
    %dma_wait3A_299 = tpu.memref_squeeze %dma_wait3A_298 : memref<1x!tpu.dma_semaphore, #tpu.memory_space<semaphore_mem>> -> memref<!tpu.dma_semaphore, #tpu.memory_space<semaphore_mem>>
    tpu.wait_indirect_dma semaphore(%dma_wait3A_299 : memref<!tpu.dma_semaphore, #tpu.memory_space<semaphore_mem>>) src(%dma_wait3A_297 : memref<100001x64xf32, #tpu.memory_space<hbm>>) dst(%dma_wait3A_291 : memref<128x64xf32, #tpu.memory_space<vmem>>)
    %add3A_300 = arith.constant 193 : i32
    %add3A_301 = arith.addi %mul3A_2, %add3A_300 : i32
    %dma_start3A_302 = arith.constant 3 : i32
    %dma_start3A_303 = arith.constant 3 : i32
    %dma_start3A_304 = arith.constant 0 : i32
    %dma_start3A_305 = arith.constant 0 : i32
    %dma_start3A_306 = tpu.memref_slice %arg6[%dma_start3A_302, %dma_start3A_304, %dma_start3A_305] : memref<10x128x64xf32, #tpu.memory_space<vmem>> -> memref<1x128x64xf32, #tpu.memory_space<vmem>>
    %dma_start3A_307 = tpu.memref_squeeze %dma_start3A_306 : memref<1x128x64xf32, #tpu.memory_space<vmem>> -> memref<128x64xf32, #tpu.memory_space<vmem>>
    %dma_start3A_308 = arith.constant 0 : i32
    %dma_start3A_309 = arith.constant 0 : i32
    %dma_start3A_310 = tpu.memref_slice %arg4[%add3A_301, %dma_start3A_308, %dma_start3A_309] : memref<6400x128x128xf32, #tpu.memory_space<hbm>> -> memref<1x128x128xf32, #tpu.memory_space<hbm>>
    %dma_start3A_311 = tpu.memref_squeeze %dma_start3A_310 : memref<1x128x128xf32, #tpu.memory_space<hbm>> -> memref<128x128xf32, #tpu.memory_space<hbm>>
    %dma_start3A_312 = arith.constant 0 : i32
    %dma_start3A_313 = arith.constant 0 : i32
    %dma_start3A_314 = tpu.memref_slice %dma_start3A_311[%dma_start3A_312, %dma_start3A_313] : memref<128x128xf32, #tpu.memory_space<hbm>> -> memref<128x64xf32, #tpu.memory_space<hbm>>
    %dma_start3A_315 = tpu.memref_slice %arg8[%dma_start3A_303] : memref<10x!tpu.dma_semaphore, #tpu.memory_space<semaphore_mem>> -> memref<1x!tpu.dma_semaphore, #tpu.memory_space<semaphore_mem>>
    %dma_start3A_316 = tpu.memref_squeeze %dma_start3A_315 : memref<1x!tpu.dma_semaphore, #tpu.memory_space<semaphore_mem>> -> memref<!tpu.dma_semaphore, #tpu.memory_space<semaphore_mem>>
    %dma_start3A_317 = arith.constant 0 : i32
    %dma_start3A_318 = arith.constant 0 : i32
    %dma_start3A_319 = tpu.memref_slice %arg4[%add3A_301, %dma_start3A_317, %dma_start3A_318] : memref<6400x128x128xf32, #tpu.memory_space<hbm>> -> memref<1x128x128xf32, #tpu.memory_space<hbm>>
    %dma_start3A_320 = tpu.memref_squeeze %dma_start3A_319 : memref<1x128x128xf32, #tpu.memory_space<hbm>> -> memref<128x128xf32, #tpu.memory_space<hbm>>
    %dma_start3A_321 = arith.constant 0 : i32
    %dma_start3A_322 = arith.constant 0 : i32
    %dma_start3A_323 = tpu.memref_slice %dma_start3A_320[%dma_start3A_321, %dma_start3A_322] : memref<128x128xf32, #tpu.memory_space<hbm>> -> memref<128x64xf32, #tpu.memory_space<hbm>>
    %dma_start3A_324 = arith.constant 0 : i32
    %dma_start3A_325 = arith.constant 0 : i32
    %dma_start3A_326 = tpu.memref_slice %arg6[%dma_start3A_302, %dma_start3A_324, %dma_start3A_325] : memref<10x128x64xf32, #tpu.memory_space<vmem>> -> memref<1x128x64xf32, #tpu.memory_space<vmem>>
    %dma_start3A_327 = tpu.memref_squeeze %dma_start3A_326 : memref<1x128x64xf32, #tpu.memory_space<vmem>> -> memref<128x64xf32, #tpu.memory_space<vmem>>
    tpu.enqueue_dma source(%dma_start3A_327 : memref<128x64xf32, #tpu.memory_space<vmem>>) target(%dma_start3A_323 : memref<128x64xf32, #tpu.memory_space<hbm>>) target_semaphore(%dma_start3A_316 : memref<!tpu.dma_semaphore, #tpu.memory_space<semaphore_mem>>)
    %dma_wait3A_328 = arith.constant 194 : i32
    %dma_wait3A_329 = arith.constant 4 : i32
    %dma_wait3A_330 = arith.constant 4 : i32
    %dma_wait3A_331 = arith.constant 0 : i32
    %dma_wait3A_332 = arith.constant 0 : i32
    %dma_wait3A_333 = tpu.memref_slice %arg6[%dma_wait3A_329, %dma_wait3A_331, %dma_wait3A_332] : memref<10x128x64xf32, #tpu.memory_space<vmem>> -> memref<1x128x64xf32, #tpu.memory_space<vmem>>
    %dma_wait3A_334 = tpu.memref_squeeze %dma_wait3A_333 : memref<1x128x64xf32, #tpu.memory_space<vmem>> -> memref<128x64xf32, #tpu.memory_space<vmem>>
    %dma_wait3A_335 = arith.constant 0 : i32
    %dma_wait3A_336 = tpu.memref_slice %arg5[%dma_wait3A_328, %dma_wait3A_335] : memref<200x128xi32, #tpu.memory_space<vmem>> -> memref<1x128xi32, #tpu.memory_space<vmem>>
    %dma_wait3A_337 = tpu.memref_squeeze %dma_wait3A_336 : memref<1x128xi32, #tpu.memory_space<vmem>> -> memref<128xi32, #tpu.memory_space<vmem>>
    %dma_wait3A_338 = arith.constant 0 : i32
    %dma_wait3A_339 = arith.constant 0 : i32
    %dma_wait3A_340 = tpu.memref_slice %arg3[%dma_wait3A_338, %dma_wait3A_339] : memref<100001x64xf32, #tpu.memory_space<hbm>> -> memref<100001x64xf32, #tpu.memory_space<hbm>>
    %dma_wait3A_341 = tpu.memref_slice %arg7[%dma_wait3A_330] : memref<10x!tpu.dma_semaphore, #tpu.memory_space<semaphore_mem>> -> memref<1x!tpu.dma_semaphore, #tpu.memory_space<semaphore_mem>>
    %dma_wait3A_342 = tpu.memref_squeeze %dma_wait3A_341 : memref<1x!tpu.dma_semaphore, #tpu.memory_space<semaphore_mem>> -> memref<!tpu.dma_semaphore, #tpu.memory_space<semaphore_mem>>
    tpu.wait_indirect_dma semaphore(%dma_wait3A_342 : memref<!tpu.dma_semaphore, #tpu.memory_space<semaphore_mem>>) src(%dma_wait3A_340 : memref<100001x64xf32, #tpu.memory_space<hbm>>) dst(%dma_wait3A_334 : memref<128x64xf32, #tpu.memory_space<vmem>>)
    %add3A_343 = arith.constant 194 : i32
    %add3A_344 = arith.addi %mul3A_2, %add3A_343 : i32
    %dma_start3A_345 = arith.constant 4 : i32
    %dma_start3A_346 = arith.constant 4 : i32
    %dma_start3A_347 = arith.constant 0 : i32
    %dma_start3A_348 = arith.constant 0 : i32
    %dma_start3A_349 = tpu.memref_slice %arg6[%dma_start3A_345, %dma_start3A_347, %dma_start3A_348] : memref<10x128x64xf32, #tpu.memory_space<vmem>> -> memref<1x128x64xf32, #tpu.memory_space<vmem>>
    %dma_start3A_350 = tpu.memref_squeeze %dma_start3A_349 : memref<1x128x64xf32, #tpu.memory_space<vmem>> -> memref<128x64xf32, #tpu.memory_space<vmem>>
    %dma_start3A_351 = arith.constant 0 : i32
    %dma_start3A_352 = arith.constant 0 : i32
    %dma_start3A_353 = tpu.memref_slice %arg4[%add3A_344, %dma_start3A_351, %dma_start3A_352] : memref<6400x128x128xf32, #tpu.memory_space<hbm>> -> memref<1x128x128xf32, #tpu.memory_space<hbm>>
    %dma_start3A_354 = tpu.memref_squeeze %dma_start3A_353 : memref<1x128x128xf32, #tpu.memory_space<hbm>> -> memref<128x128xf32, #tpu.memory_space<hbm>>
    %dma_start3A_355 = arith.constant 0 : i32
    %dma_start3A_356 = arith.constant 0 : i32
    %dma_start3A_357 = tpu.memref_slice %dma_start3A_354[%dma_start3A_355, %dma_start3A_356] : memref<128x128xf32, #tpu.memory_space<hbm>> -> memref<128x64xf32, #tpu.memory_space<hbm>>
    %dma_start3A_358 = tpu.memref_slice %arg8[%dma_start3A_346] : memref<10x!tpu.dma_semaphore, #tpu.memory_space<semaphore_mem>> -> memref<1x!tpu.dma_semaphore, #tpu.memory_space<semaphore_mem>>
    %dma_start3A_359 = tpu.memref_squeeze %dma_start3A_358 : memref<1x!tpu.dma_semaphore, #tpu.memory_space<semaphore_mem>> -> memref<!tpu.dma_semaphore, #tpu.memory_space<semaphore_mem>>
    %dma_start3A_360 = arith.constant 0 : i32
    %dma_start3A_361 = arith.constant 0 : i32
    %dma_start3A_362 = tpu.memref_slice %arg4[%add3A_344, %dma_start3A_360, %dma_start3A_361] : memref<6400x128x128xf32, #tpu.memory_space<hbm>> -> memref<1x128x128xf32, #tpu.memory_space<hbm>>
    %dma_start3A_363 = tpu.memref_squeeze %dma_start3A_362 : memref<1x128x128xf32, #tpu.memory_space<hbm>> -> memref<128x128xf32, #tpu.memory_space<hbm>>
    %dma_start3A_364 = arith.constant 0 : i32
    %dma_start3A_365 = arith.constant 0 : i32
    %dma_start3A_366 = tpu.memref_slice %dma_start3A_363[%dma_start3A_364, %dma_start3A_365] : memref<128x128xf32, #tpu.memory_space<hbm>> -> memref<128x64xf32, #tpu.memory_space<hbm>>
    %dma_start3A_367 = arith.constant 0 : i32
    %dma_start3A_368 = arith.constant 0 : i32
    %dma_start3A_369 = tpu.memref_slice %arg6[%dma_start3A_345, %dma_start3A_367, %dma_start3A_368] : memref<10x128x64xf32, #tpu.memory_space<vmem>> -> memref<1x128x64xf32, #tpu.memory_space<vmem>>
    %dma_start3A_370 = tpu.memref_squeeze %dma_start3A_369 : memref<1x128x64xf32, #tpu.memory_space<vmem>> -> memref<128x64xf32, #tpu.memory_space<vmem>>
    tpu.enqueue_dma source(%dma_start3A_370 : memref<128x64xf32, #tpu.memory_space<vmem>>) target(%dma_start3A_366 : memref<128x64xf32, #tpu.memory_space<hbm>>) target_semaphore(%dma_start3A_359 : memref<!tpu.dma_semaphore, #tpu.memory_space<semaphore_mem>>)
    %dma_wait3A_371 = arith.constant 195 : i32
    %dma_wait3A_372 = arith.constant 5 : i32
    %dma_wait3A_373 = arith.constant 5 : i32
    %dma_wait3A_374 = arith.constant 0 : i32
    %dma_wait3A_375 = arith.constant 0 : i32
    %dma_wait3A_376 = tpu.memref_slice %arg6[%dma_wait3A_372, %dma_wait3A_374, %dma_wait3A_375] : memref<10x128x64xf32, #tpu.memory_space<vmem>> -> memref<1x128x64xf32, #tpu.memory_space<vmem>>
    %dma_wait3A_377 = tpu.memref_squeeze %dma_wait3A_376 : memref<1x128x64xf32, #tpu.memory_space<vmem>> -> memref<128x64xf32, #tpu.memory_space<vmem>>
    %dma_wait3A_378 = arith.constant 0 : i32
    %dma_wait3A_379 = tpu.memref_slice %arg5[%dma_wait3A_371, %dma_wait3A_378] : memref<200x128xi32, #tpu.memory_space<vmem>> -> memref<1x128xi32, #tpu.memory_space<vmem>>
    %dma_wait3A_380 = tpu.memref_squeeze %dma_wait3A_379 : memref<1x128xi32, #tpu.memory_space<vmem>> -> memref<128xi32, #tpu.memory_space<vmem>>
    %dma_wait3A_381 = arith.constant 0 : i32
    %dma_wait3A_382 = arith.constant 0 : i32
    %dma_wait3A_383 = tpu.memref_slice %arg3[%dma_wait3A_381, %dma_wait3A_382] : memref<100001x64xf32, #tpu.memory_space<hbm>> -> memref<100001x64xf32, #tpu.memory_space<hbm>>
    %dma_wait3A_384 = tpu.memref_slice %arg7[%dma_wait3A_373] : memref<10x!tpu.dma_semaphore, #tpu.memory_space<semaphore_mem>> -> memref<1x!tpu.dma_semaphore, #tpu.memory_space<semaphore_mem>>
    %dma_wait3A_385 = tpu.memref_squeeze %dma_wait3A_384 : memref<1x!tpu.dma_semaphore, #tpu.memory_space<semaphore_mem>> -> memref<!tpu.dma_semaphore, #tpu.memory_space<semaphore_mem>>
    tpu.wait_indirect_dma semaphore(%dma_wait3A_385 : memref<!tpu.dma_semaphore, #tpu.memory_space<semaphore_mem>>) src(%dma_wait3A_383 : memref<100001x64xf32, #tpu.memory_space<hbm>>) dst(%dma_wait3A_377 : memref<128x64xf32, #tpu.memory_space<vmem>>)
    %add3A_386 = arith.constant 195 : i32
    %add3A_387 = arith.addi %mul3A_2, %add3A_386 : i32
    %dma_start3A_388 = arith.constant 5 : i32
    %dma_start3A_389 = arith.constant 5 : i32
    %dma_start3A_390 = arith.constant 0 : i32
    %dma_start3A_391 = arith.constant 0 : i32
    %dma_start3A_392 = tpu.memref_slice %arg6[%dma_start3A_388, %dma_start3A_390, %dma_start3A_391] : memref<10x128x64xf32, #tpu.memory_space<vmem>> -> memref<1x128x64xf32, #tpu.memory_space<vmem>>
    %dma_start3A_393 = tpu.memref_squeeze %dma_start3A_392 : memref<1x128x64xf32, #tpu.memory_space<vmem>> -> memref<128x64xf32, #tpu.memory_space<vmem>>
    %dma_start3A_394 = arith.constant 0 : i32
    %dma_start3A_395 = arith.constant 0 : i32
    %dma_start3A_396 = tpu.memref_slice %arg4[%add3A_387, %dma_start3A_394, %dma_start3A_395] : memref<6400x128x128xf32, #tpu.memory_space<hbm>> -> memref<1x128x128xf32, #tpu.memory_space<hbm>>
    %dma_start3A_397 = tpu.memref_squeeze %dma_start3A_396 : memref<1x128x128xf32, #tpu.memory_space<hbm>> -> memref<128x128xf32, #tpu.memory_space<hbm>>
    %dma_start3A_398 = arith.constant 0 : i32
    %dma_start3A_399 = arith.constant 0 : i32
    %dma_start3A_400 = tpu.memref_slice %dma_start3A_397[%dma_start3A_398, %dma_start3A_399] : memref<128x128xf32, #tpu.memory_space<hbm>> -> memref<128x64xf32, #tpu.memory_space<hbm>>
    %dma_start3A_401 = tpu.memref_slice %arg8[%dma_start3A_389] : memref<10x!tpu.dma_semaphore, #tpu.memory_space<semaphore_mem>> -> memref<1x!tpu.dma_semaphore, #tpu.memory_space<semaphore_mem>>
    %dma_start3A_402 = tpu.memref_squeeze %dma_start3A_401 : memref<1x!tpu.dma_semaphore, #tpu.memory_space<semaphore_mem>> -> memref<!tpu.dma_semaphore, #tpu.memory_space<semaphore_mem>>
    %dma_start3A_403 = arith.constant 0 : i32
    %dma_start3A_404 = arith.constant 0 : i32
    %dma_start3A_405 = tpu.memref_slice %arg4[%add3A_387, %dma_start3A_403, %dma_start3A_404] : memref<6400x128x128xf32, #tpu.memory_space<hbm>> -> memref<1x128x128xf32, #tpu.memory_space<hbm>>
    %dma_start3A_406 = tpu.memref_squeeze %dma_start3A_405 : memref<1x128x128xf32, #tpu.memory_space<hbm>> -> memref<128x128xf32, #tpu.memory_space<hbm>>
    %dma_start3A_407 = arith.constant 0 : i32
    %dma_start3A_408 = arith.constant 0 : i32
    %dma_start3A_409 = tpu.memref_slice %dma_start3A_406[%dma_start3A_407, %dma_start3A_408] : memref<128x128xf32, #tpu.memory_space<hbm>> -> memref<128x64xf32, #tpu.memory_space<hbm>>
    %dma_start3A_410 = arith.constant 0 : i32
    %dma_start3A_411 = arith.constant 0 : i32
    %dma_start3A_412 = tpu.memref_slice %arg6[%dma_start3A_388, %dma_start3A_410, %dma_start3A_411] : memref<10x128x64xf32, #tpu.memory_space<vmem>> -> memref<1x128x64xf32, #tpu.memory_space<vmem>>
    %dma_start3A_413 = tpu.memref_squeeze %dma_start3A_412 : memref<1x128x64xf32, #tpu.memory_space<vmem>> -> memref<128x64xf32, #tpu.memory_space<vmem>>
    tpu.enqueue_dma source(%dma_start3A_413 : memref<128x64xf32, #tpu.memory_space<vmem>>) target(%dma_start3A_409 : memref<128x64xf32, #tpu.memory_space<hbm>>) target_semaphore(%dma_start3A_402 : memref<!tpu.dma_semaphore, #tpu.memory_space<semaphore_mem>>)
    %dma_wait3A_414 = arith.constant 196 : i32
    %dma_wait3A_415 = arith.constant 6 : i32
    %dma_wait3A_416 = arith.constant 6 : i32
    %dma_wait3A_417 = arith.constant 0 : i32
    %dma_wait3A_418 = arith.constant 0 : i32
    %dma_wait3A_419 = tpu.memref_slice %arg6[%dma_wait3A_415, %dma_wait3A_417, %dma_wait3A_418] : memref<10x128x64xf32, #tpu.memory_space<vmem>> -> memref<1x128x64xf32, #tpu.memory_space<vmem>>
    %dma_wait3A_420 = tpu.memref_squeeze %dma_wait3A_419 : memref<1x128x64xf32, #tpu.memory_space<vmem>> -> memref<128x64xf32, #tpu.memory_space<vmem>>
    %dma_wait3A_421 = arith.constant 0 : i32
    %dma_wait3A_422 = tpu.memref_slice %arg5[%dma_wait3A_414, %dma_wait3A_421] : memref<200x128xi32, #tpu.memory_space<vmem>> -> memref<1x128xi32, #tpu.memory_space<vmem>>
    %dma_wait3A_423 = tpu.memref_squeeze %dma_wait3A_422 : memref<1x128xi32, #tpu.memory_space<vmem>> -> memref<128xi32, #tpu.memory_space<vmem>>
    %dma_wait3A_424 = arith.constant 0 : i32
    %dma_wait3A_425 = arith.constant 0 : i32
    %dma_wait3A_426 = tpu.memref_slice %arg3[%dma_wait3A_424, %dma_wait3A_425] : memref<100001x64xf32, #tpu.memory_space<hbm>> -> memref<100001x64xf32, #tpu.memory_space<hbm>>
    %dma_wait3A_427 = tpu.memref_slice %arg7[%dma_wait3A_416] : memref<10x!tpu.dma_semaphore, #tpu.memory_space<semaphore_mem>> -> memref<1x!tpu.dma_semaphore, #tpu.memory_space<semaphore_mem>>
    %dma_wait3A_428 = tpu.memref_squeeze %dma_wait3A_427 : memref<1x!tpu.dma_semaphore, #tpu.memory_space<semaphore_mem>> -> memref<!tpu.dma_semaphore, #tpu.memory_space<semaphore_mem>>
    tpu.wait_indirect_dma semaphore(%dma_wait3A_428 : memref<!tpu.dma_semaphore, #tpu.memory_space<semaphore_mem>>) src(%dma_wait3A_426 : memref<100001x64xf32, #tpu.memory_space<hbm>>) dst(%dma_wait3A_420 : memref<128x64xf32, #tpu.memory_space<vmem>>)
    %add3A_429 = arith.constant 196 : i32
    %add3A_430 = arith.addi %mul3A_2, %add3A_429 : i32
    %dma_start3A_431 = arith.constant 6 : i32
    %dma_start3A_432 = arith.constant 6 : i32
    %dma_start3A_433 = arith.constant 0 : i32
    %dma_start3A_434 = arith.constant 0 : i32
    %dma_start3A_435 = tpu.memref_slice %arg6[%dma_start3A_431, %dma_start3A_433, %dma_start3A_434] : memref<10x128x64xf32, #tpu.memory_space<vmem>> -> memref<1x128x64xf32, #tpu.memory_space<vmem>>
    %dma_start3A_436 = tpu.memref_squeeze %dma_start3A_435 : memref<1x128x64xf32, #tpu.memory_space<vmem>> -> memref<128x64xf32, #tpu.memory_space<vmem>>
    %dma_start3A_437 = arith.constant 0 : i32
    %dma_start3A_438 = arith.constant 0 : i32
    %dma_start3A_439 = tpu.memref_slice %arg4[%add3A_430, %dma_start3A_437, %dma_start3A_438] : memref<6400x128x128xf32, #tpu.memory_space<hbm>> -> memref<1x128x128xf32, #tpu.memory_space<hbm>>
    %dma_start3A_440 = tpu.memref_squeeze %dma_start3A_439 : memref<1x128x128xf32, #tpu.memory_space<hbm>> -> memref<128x128xf32, #tpu.memory_space<hbm>>
    %dma_start3A_441 = arith.constant 0 : i32
    %dma_start3A_442 = arith.constant 0 : i32
    %dma_start3A_443 = tpu.memref_slice %dma_start3A_440[%dma_start3A_441, %dma_start3A_442] : memref<128x128xf32, #tpu.memory_space<hbm>> -> memref<128x64xf32, #tpu.memory_space<hbm>>
    %dma_start3A_444 = tpu.memref_slice %arg8[%dma_start3A_432] : memref<10x!tpu.dma_semaphore, #tpu.memory_space<semaphore_mem>> -> memref<1x!tpu.dma_semaphore, #tpu.memory_space<semaphore_mem>>
    %dma_start3A_445 = tpu.memref_squeeze %dma_start3A_444 : memref<1x!tpu.dma_semaphore, #tpu.memory_space<semaphore_mem>> -> memref<!tpu.dma_semaphore, #tpu.memory_space<semaphore_mem>>
    %dma_start3A_446 = arith.constant 0 : i32
    %dma_start3A_447 = arith.constant 0 : i32
    %dma_start3A_448 = tpu.memref_slice %arg4[%add3A_430, %dma_start3A_446, %dma_start3A_447] : memref<6400x128x128xf32, #tpu.memory_space<hbm>> -> memref<1x128x128xf32, #tpu.memory_space<hbm>>
    %dma_start3A_449 = tpu.memref_squeeze %dma_start3A_448 : memref<1x128x128xf32, #tpu.memory_space<hbm>> -> memref<128x128xf32, #tpu.memory_space<hbm>>
    %dma_start3A_450 = arith.constant 0 : i32
    %dma_start3A_451 = arith.constant 0 : i32
    %dma_start3A_452 = tpu.memref_slice %dma_start3A_449[%dma_start3A_450, %dma_start3A_451] : memref<128x128xf32, #tpu.memory_space<hbm>> -> memref<128x64xf32, #tpu.memory_space<hbm>>
    %dma_start3A_453 = arith.constant 0 : i32
    %dma_start3A_454 = arith.constant 0 : i32
    %dma_start3A_455 = tpu.memref_slice %arg6[%dma_start3A_431, %dma_start3A_453, %dma_start3A_454] : memref<10x128x64xf32, #tpu.memory_space<vmem>> -> memref<1x128x64xf32, #tpu.memory_space<vmem>>
    %dma_start3A_456 = tpu.memref_squeeze %dma_start3A_455 : memref<1x128x64xf32, #tpu.memory_space<vmem>> -> memref<128x64xf32, #tpu.memory_space<vmem>>
    tpu.enqueue_dma source(%dma_start3A_456 : memref<128x64xf32, #tpu.memory_space<vmem>>) target(%dma_start3A_452 : memref<128x64xf32, #tpu.memory_space<hbm>>) target_semaphore(%dma_start3A_445 : memref<!tpu.dma_semaphore, #tpu.memory_space<semaphore_mem>>)
    %dma_wait3A_457 = arith.constant 197 : i32
    %dma_wait3A_458 = arith.constant 7 : i32
    %dma_wait3A_459 = arith.constant 7 : i32
    %dma_wait3A_460 = arith.constant 0 : i32
    %dma_wait3A_461 = arith.constant 0 : i32
    %dma_wait3A_462 = tpu.memref_slice %arg6[%dma_wait3A_458, %dma_wait3A_460, %dma_wait3A_461] : memref<10x128x64xf32, #tpu.memory_space<vmem>> -> memref<1x128x64xf32, #tpu.memory_space<vmem>>
    %dma_wait3A_463 = tpu.memref_squeeze %dma_wait3A_462 : memref<1x128x64xf32, #tpu.memory_space<vmem>> -> memref<128x64xf32, #tpu.memory_space<vmem>>
    %dma_wait3A_464 = arith.constant 0 : i32
    %dma_wait3A_465 = tpu.memref_slice %arg5[%dma_wait3A_457, %dma_wait3A_464] : memref<200x128xi32, #tpu.memory_space<vmem>> -> memref<1x128xi32, #tpu.memory_space<vmem>>
    %dma_wait3A_466 = tpu.memref_squeeze %dma_wait3A_465 : memref<1x128xi32, #tpu.memory_space<vmem>> -> memref<128xi32, #tpu.memory_space<vmem>>
    %dma_wait3A_467 = arith.constant 0 : i32
    %dma_wait3A_468 = arith.constant 0 : i32
    %dma_wait3A_469 = tpu.memref_slice %arg3[%dma_wait3A_467, %dma_wait3A_468] : memref<100001x64xf32, #tpu.memory_space<hbm>> -> memref<100001x64xf32, #tpu.memory_space<hbm>>
    %dma_wait3A_470 = tpu.memref_slice %arg7[%dma_wait3A_459] : memref<10x!tpu.dma_semaphore, #tpu.memory_space<semaphore_mem>> -> memref<1x!tpu.dma_semaphore, #tpu.memory_space<semaphore_mem>>
    %dma_wait3A_471 = tpu.memref_squeeze %dma_wait3A_470 : memref<1x!tpu.dma_semaphore, #tpu.memory_space<semaphore_mem>> -> memref<!tpu.dma_semaphore, #tpu.memory_space<semaphore_mem>>
    tpu.wait_indirect_dma semaphore(%dma_wait3A_471 : memref<!tpu.dma_semaphore, #tpu.memory_space<semaphore_mem>>) src(%dma_wait3A_469 : memref<100001x64xf32, #tpu.memory_space<hbm>>) dst(%dma_wait3A_463 : memref<128x64xf32, #tpu.memory_space<vmem>>)
    %add3A_472 = arith.constant 197 : i32
    %add3A_473 = arith.addi %mul3A_2, %add3A_472 : i32
    %dma_start3A_474 = arith.constant 7 : i32
    %dma_start3A_475 = arith.constant 7 : i32
    %dma_start3A_476 = arith.constant 0 : i32
    %dma_start3A_477 = arith.constant 0 : i32
    %dma_start3A_478 = tpu.memref_slice %arg6[%dma_start3A_474, %dma_start3A_476, %dma_start3A_477] : memref<10x128x64xf32, #tpu.memory_space<vmem>> -> memref<1x128x64xf32, #tpu.memory_space<vmem>>
    %dma_start3A_479 = tpu.memref_squeeze %dma_start3A_478 : memref<1x128x64xf32, #tpu.memory_space<vmem>> -> memref<128x64xf32, #tpu.memory_space<vmem>>
    %dma_start3A_480 = arith.constant 0 : i32
    %dma_start3A_481 = arith.constant 0 : i32
    %dma_start3A_482 = tpu.memref_slice %arg4[%add3A_473, %dma_start3A_480, %dma_start3A_481] : memref<6400x128x128xf32, #tpu.memory_space<hbm>> -> memref<1x128x128xf32, #tpu.memory_space<hbm>>
    %dma_start3A_483 = tpu.memref_squeeze %dma_start3A_482 : memref<1x128x128xf32, #tpu.memory_space<hbm>> -> memref<128x128xf32, #tpu.memory_space<hbm>>
    %dma_start3A_484 = arith.constant 0 : i32
    %dma_start3A_485 = arith.constant 0 : i32
    %dma_start3A_486 = tpu.memref_slice %dma_start3A_483[%dma_start3A_484, %dma_start3A_485] : memref<128x128xf32, #tpu.memory_space<hbm>> -> memref<128x64xf32, #tpu.memory_space<hbm>>
    %dma_start3A_487 = tpu.memref_slice %arg8[%dma_start3A_475] : memref<10x!tpu.dma_semaphore, #tpu.memory_space<semaphore_mem>> -> memref<1x!tpu.dma_semaphore, #tpu.memory_space<semaphore_mem>>
    %dma_start3A_488 = tpu.memref_squeeze %dma_start3A_487 : memref<1x!tpu.dma_semaphore, #tpu.memory_space<semaphore_mem>> -> memref<!tpu.dma_semaphore, #tpu.memory_space<semaphore_mem>>
    %dma_start3A_489 = arith.constant 0 : i32
    %dma_start3A_490 = arith.constant 0 : i32
    %dma_start3A_491 = tpu.memref_slice %arg4[%add3A_473, %dma_start3A_489, %dma_start3A_490] : memref<6400x128x128xf32, #tpu.memory_space<hbm>> -> memref<1x128x128xf32, #tpu.memory_space<hbm>>
    %dma_start3A_492 = tpu.memref_squeeze %dma_start3A_491 : memref<1x128x128xf32, #tpu.memory_space<hbm>> -> memref<128x128xf32, #tpu.memory_space<hbm>>
    %dma_start3A_493 = arith.constant 0 : i32
    %dma_start3A_494 = arith.constant 0 : i32
    %dma_start3A_495 = tpu.memref_slice %dma_start3A_492[%dma_start3A_493, %dma_start3A_494] : memref<128x128xf32, #tpu.memory_space<hbm>> -> memref<128x64xf32, #tpu.memory_space<hbm>>
    %dma_start3A_496 = arith.constant 0 : i32
    %dma_start3A_497 = arith.constant 0 : i32
    %dma_start3A_498 = tpu.memref_slice %arg6[%dma_start3A_474, %dma_start3A_496, %dma_start3A_497] : memref<10x128x64xf32, #tpu.memory_space<vmem>> -> memref<1x128x64xf32, #tpu.memory_space<vmem>>
    %dma_start3A_499 = tpu.memref_squeeze %dma_start3A_498 : memref<1x128x64xf32, #tpu.memory_space<vmem>> -> memref<128x64xf32, #tpu.memory_space<vmem>>
    tpu.enqueue_dma source(%dma_start3A_499 : memref<128x64xf32, #tpu.memory_space<vmem>>) target(%dma_start3A_495 : memref<128x64xf32, #tpu.memory_space<hbm>>) target_semaphore(%dma_start3A_488 : memref<!tpu.dma_semaphore, #tpu.memory_space<semaphore_mem>>)
    %dma_wait3A_500 = arith.constant 198 : i32
    %dma_wait3A_501 = arith.constant 8 : i32
    %dma_wait3A_502 = arith.constant 8 : i32
    %dma_wait3A_503 = arith.constant 0 : i32
    %dma_wait3A_504 = arith.constant 0 : i32
    %dma_wait3A_505 = tpu.memref_slice %arg6[%dma_wait3A_501, %dma_wait3A_503, %dma_wait3A_504] : memref<10x128x64xf32, #tpu.memory_space<vmem>> -> memref<1x128x64xf32, #tpu.memory_space<vmem>>
    %dma_wait3A_506 = tpu.memref_squeeze %dma_wait3A_505 : memref<1x128x64xf32, #tpu.memory_space<vmem>> -> memref<128x64xf32, #tpu.memory_space<vmem>>
    %dma_wait3A_507 = arith.constant 0 : i32
    %dma_wait3A_508 = tpu.memref_slice %arg5[%dma_wait3A_500, %dma_wait3A_507] : memref<200x128xi32, #tpu.memory_space<vmem>> -> memref<1x128xi32, #tpu.memory_space<vmem>>
    %dma_wait3A_509 = tpu.memref_squeeze %dma_wait3A_508 : memref<1x128xi32, #tpu.memory_space<vmem>> -> memref<128xi32, #tpu.memory_space<vmem>>
    %dma_wait3A_510 = arith.constant 0 : i32
    %dma_wait3A_511 = arith.constant 0 : i32
    %dma_wait3A_512 = tpu.memref_slice %arg3[%dma_wait3A_510, %dma_wait3A_511] : memref<100001x64xf32, #tpu.memory_space<hbm>> -> memref<100001x64xf32, #tpu.memory_space<hbm>>
    %dma_wait3A_513 = tpu.memref_slice %arg7[%dma_wait3A_502] : memref<10x!tpu.dma_semaphore, #tpu.memory_space<semaphore_mem>> -> memref<1x!tpu.dma_semaphore, #tpu.memory_space<semaphore_mem>>
    %dma_wait3A_514 = tpu.memref_squeeze %dma_wait3A_513 : memref<1x!tpu.dma_semaphore, #tpu.memory_space<semaphore_mem>> -> memref<!tpu.dma_semaphore, #tpu.memory_space<semaphore_mem>>
    tpu.wait_indirect_dma semaphore(%dma_wait3A_514 : memref<!tpu.dma_semaphore, #tpu.memory_space<semaphore_mem>>) src(%dma_wait3A_512 : memref<100001x64xf32, #tpu.memory_space<hbm>>) dst(%dma_wait3A_506 : memref<128x64xf32, #tpu.memory_space<vmem>>)
    %add3A_515 = arith.constant 198 : i32
    %add3A_516 = arith.addi %mul3A_2, %add3A_515 : i32
    %dma_start3A_517 = arith.constant 8 : i32
    %dma_start3A_518 = arith.constant 8 : i32
    %dma_start3A_519 = arith.constant 0 : i32
    %dma_start3A_520 = arith.constant 0 : i32
    %dma_start3A_521 = tpu.memref_slice %arg6[%dma_start3A_517, %dma_start3A_519, %dma_start3A_520] : memref<10x128x64xf32, #tpu.memory_space<vmem>> -> memref<1x128x64xf32, #tpu.memory_space<vmem>>
    %dma_start3A_522 = tpu.memref_squeeze %dma_start3A_521 : memref<1x128x64xf32, #tpu.memory_space<vmem>> -> memref<128x64xf32, #tpu.memory_space<vmem>>
    %dma_start3A_523 = arith.constant 0 : i32
    %dma_start3A_524 = arith.constant 0 : i32
    %dma_start3A_525 = tpu.memref_slice %arg4[%add3A_516, %dma_start3A_523, %dma_start3A_524] : memref<6400x128x128xf32, #tpu.memory_space<hbm>> -> memref<1x128x128xf32, #tpu.memory_space<hbm>>
    %dma_start3A_526 = tpu.memref_squeeze %dma_start3A_525 : memref<1x128x128xf32, #tpu.memory_space<hbm>> -> memref<128x128xf32, #tpu.memory_space<hbm>>
    %dma_start3A_527 = arith.constant 0 : i32
    %dma_start3A_528 = arith.constant 0 : i32
    %dma_start3A_529 = tpu.memref_slice %dma_start3A_526[%dma_start3A_527, %dma_start3A_528] : memref<128x128xf32, #tpu.memory_space<hbm>> -> memref<128x64xf32, #tpu.memory_space<hbm>>
    %dma_start3A_530 = tpu.memref_slice %arg8[%dma_start3A_518] : memref<10x!tpu.dma_semaphore, #tpu.memory_space<semaphore_mem>> -> memref<1x!tpu.dma_semaphore, #tpu.memory_space<semaphore_mem>>
    %dma_start3A_531 = tpu.memref_squeeze %dma_start3A_530 : memref<1x!tpu.dma_semaphore, #tpu.memory_space<semaphore_mem>> -> memref<!tpu.dma_semaphore, #tpu.memory_space<semaphore_mem>>
    %dma_start3A_532 = arith.constant 0 : i32
    %dma_start3A_533 = arith.constant 0 : i32
    %dma_start3A_534 = tpu.memref_slice %arg4[%add3A_516, %dma_start3A_532, %dma_start3A_533] : memref<6400x128x128xf32, #tpu.memory_space<hbm>> -> memref<1x128x128xf32, #tpu.memory_space<hbm>>
    %dma_start3A_535 = tpu.memref_squeeze %dma_start3A_534 : memref<1x128x128xf32, #tpu.memory_space<hbm>> -> memref<128x128xf32, #tpu.memory_space<hbm>>
    %dma_start3A_536 = arith.constant 0 : i32
    %dma_start3A_537 = arith.constant 0 : i32
    %dma_start3A_538 = tpu.memref_slice %dma_start3A_535[%dma_start3A_536, %dma_start3A_537] : memref<128x128xf32, #tpu.memory_space<hbm>> -> memref<128x64xf32, #tpu.memory_space<hbm>>
    %dma_start3A_539 = arith.constant 0 : i32
    %dma_start3A_540 = arith.constant 0 : i32
    %dma_start3A_541 = tpu.memref_slice %arg6[%dma_start3A_517, %dma_start3A_539, %dma_start3A_540] : memref<10x128x64xf32, #tpu.memory_space<vmem>> -> memref<1x128x64xf32, #tpu.memory_space<vmem>>
    %dma_start3A_542 = tpu.memref_squeeze %dma_start3A_541 : memref<1x128x64xf32, #tpu.memory_space<vmem>> -> memref<128x64xf32, #tpu.memory_space<vmem>>
    tpu.enqueue_dma source(%dma_start3A_542 : memref<128x64xf32, #tpu.memory_space<vmem>>) target(%dma_start3A_538 : memref<128x64xf32, #tpu.memory_space<hbm>>) target_semaphore(%dma_start3A_531 : memref<!tpu.dma_semaphore, #tpu.memory_space<semaphore_mem>>)
    %dma_wait3A_543 = arith.constant 199 : i32
    %dma_wait3A_544 = arith.constant 9 : i32
    %dma_wait3A_545 = arith.constant 9 : i32
    %dma_wait3A_546 = arith.constant 0 : i32
    %dma_wait3A_547 = arith.constant 0 : i32
    %dma_wait3A_548 = tpu.memref_slice %arg6[%dma_wait3A_544, %dma_wait3A_546, %dma_wait3A_547] : memref<10x128x64xf32, #tpu.memory_space<vmem>> -> memref<1x128x64xf32, #tpu.memory_space<vmem>>
    %dma_wait3A_549 = tpu.memref_squeeze %dma_wait3A_548 : memref<1x128x64xf32, #tpu.memory_space<vmem>> -> memref<128x64xf32, #tpu.memory_space<vmem>>
    %dma_wait3A_550 = arith.constant 0 : i32
    %dma_wait3A_551 = tpu.memref_slice %arg5[%dma_wait3A_543, %dma_wait3A_550] : memref<200x128xi32, #tpu.memory_space<vmem>> -> memref<1x128xi32, #tpu.memory_space<vmem>>
    %dma_wait3A_552 = tpu.memref_squeeze %dma_wait3A_551 : memref<1x128xi32, #tpu.memory_space<vmem>> -> memref<128xi32, #tpu.memory_space<vmem>>
    %dma_wait3A_553 = arith.constant 0 : i32
    %dma_wait3A_554 = arith.constant 0 : i32
    %dma_wait3A_555 = tpu.memref_slice %arg3[%dma_wait3A_553, %dma_wait3A_554] : memref<100001x64xf32, #tpu.memory_space<hbm>> -> memref<100001x64xf32, #tpu.memory_space<hbm>>
    %dma_wait3A_556 = tpu.memref_slice %arg7[%dma_wait3A_545] : memref<10x!tpu.dma_semaphore, #tpu.memory_space<semaphore_mem>> -> memref<1x!tpu.dma_semaphore, #tpu.memory_space<semaphore_mem>>
    %dma_wait3A_557 = tpu.memref_squeeze %dma_wait3A_556 : memref<1x!tpu.dma_semaphore, #tpu.memory_space<semaphore_mem>> -> memref<!tpu.dma_semaphore, #tpu.memory_space<semaphore_mem>>
    tpu.wait_indirect_dma semaphore(%dma_wait3A_557 : memref<!tpu.dma_semaphore, #tpu.memory_space<semaphore_mem>>) src(%dma_wait3A_555 : memref<100001x64xf32, #tpu.memory_space<hbm>>) dst(%dma_wait3A_549 : memref<128x64xf32, #tpu.memory_space<vmem>>)
    %add3A_558 = arith.constant 199 : i32
    %add3A_559 = arith.addi %mul3A_2, %add3A_558 : i32
    %dma_start3A_560 = arith.constant 9 : i32
    %dma_start3A_561 = arith.constant 9 : i32
    %dma_start3A_562 = arith.constant 0 : i32
    %dma_start3A_563 = arith.constant 0 : i32
    %dma_start3A_564 = tpu.memref_slice %arg6[%dma_start3A_560, %dma_start3A_562, %dma_start3A_563] : memref<10x128x64xf32, #tpu.memory_space<vmem>> -> memref<1x128x64xf32, #tpu.memory_space<vmem>>
    %dma_start3A_565 = tpu.memref_squeeze %dma_start3A_564 : memref<1x128x64xf32, #tpu.memory_space<vmem>> -> memref<128x64xf32, #tpu.memory_space<vmem>>
    %dma_start3A_566 = arith.constant 0 : i32
    %dma_start3A_567 = arith.constant 0 : i32
    %dma_start3A_568 = tpu.memref_slice %arg4[%add3A_559, %dma_start3A_566, %dma_start3A_567] : memref<6400x128x128xf32, #tpu.memory_space<hbm>> -> memref<1x128x128xf32, #tpu.memory_space<hbm>>
    %dma_start3A_569 = tpu.memref_squeeze %dma_start3A_568 : memref<1x128x128xf32, #tpu.memory_space<hbm>> -> memref<128x128xf32, #tpu.memory_space<hbm>>
    %dma_start3A_570 = arith.constant 0 : i32
    %dma_start3A_571 = arith.constant 0 : i32
    %dma_start3A_572 = tpu.memref_slice %dma_start3A_569[%dma_start3A_570, %dma_start3A_571] : memref<128x128xf32, #tpu.memory_space<hbm>> -> memref<128x64xf32, #tpu.memory_space<hbm>>
    %dma_start3A_573 = tpu.memref_slice %arg8[%dma_start3A_561] : memref<10x!tpu.dma_semaphore, #tpu.memory_space<semaphore_mem>> -> memref<1x!tpu.dma_semaphore, #tpu.memory_space<semaphore_mem>>
    %dma_start3A_574 = tpu.memref_squeeze %dma_start3A_573 : memref<1x!tpu.dma_semaphore, #tpu.memory_space<semaphore_mem>> -> memref<!tpu.dma_semaphore, #tpu.memory_space<semaphore_mem>>
    %dma_start3A_575 = arith.constant 0 : i32
    %dma_start3A_576 = arith.constant 0 : i32
    %dma_start3A_577 = tpu.memref_slice %arg4[%add3A_559, %dma_start3A_575, %dma_start3A_576] : memref<6400x128x128xf32, #tpu.memory_space<hbm>> -> memref<1x128x128xf32, #tpu.memory_space<hbm>>
    %dma_start3A_578 = tpu.memref_squeeze %dma_start3A_577 : memref<1x128x128xf32, #tpu.memory_space<hbm>> -> memref<128x128xf32, #tpu.memory_space<hbm>>
    %dma_start3A_579 = arith.constant 0 : i32
    %dma_start3A_580 = arith.constant 0 : i32
    %dma_start3A_581 = tpu.memref_slice %dma_start3A_578[%dma_start3A_579, %dma_start3A_580] : memref<128x128xf32, #tpu.memory_space<hbm>> -> memref<128x64xf32, #tpu.memory_space<hbm>>
    %dma_start3A_582 = arith.constant 0 : i32
    %dma_start3A_583 = arith.constant 0 : i32
    %dma_start3A_584 = tpu.memref_slice %arg6[%dma_start3A_560, %dma_start3A_582, %dma_start3A_583] : memref<10x128x64xf32, #tpu.memory_space<vmem>> -> memref<1x128x64xf32, #tpu.memory_space<vmem>>
    %dma_start3A_585 = tpu.memref_squeeze %dma_start3A_584 : memref<1x128x64xf32, #tpu.memory_space<vmem>> -> memref<128x64xf32, #tpu.memory_space<vmem>>
    tpu.enqueue_dma source(%dma_start3A_585 : memref<128x64xf32, #tpu.memory_space<vmem>>) target(%dma_start3A_581 : memref<128x64xf32, #tpu.memory_space<hbm>>) target_semaphore(%dma_start3A_574 : memref<!tpu.dma_semaphore, #tpu.memory_space<semaphore_mem>>)
    %add3A_586 = arith.constant 190 : i32
    %add3A_587 = arith.addi %mul3A_2, %add3A_586 : i32
    %dma_wait3A_588 = arith.constant 0 : i32
    %dma_wait3A_589 = arith.constant 0 : i32
    %dma_wait3A_590 = arith.constant 0 : i32
    %dma_wait3A_591 = arith.constant 0 : i32
    %dma_wait3A_592 = tpu.memref_slice %arg6[%dma_wait3A_588, %dma_wait3A_590, %dma_wait3A_591] : memref<10x128x64xf32, #tpu.memory_space<vmem>> -> memref<1x128x64xf32, #tpu.memory_space<vmem>>
    %dma_wait3A_593 = tpu.memref_squeeze %dma_wait3A_592 : memref<1x128x64xf32, #tpu.memory_space<vmem>> -> memref<128x64xf32, #tpu.memory_space<vmem>>
    %dma_wait3A_594 = arith.constant 0 : i32
    %dma_wait3A_595 = arith.constant 0 : i32
    %dma_wait3A_596 = tpu.memref_slice %arg4[%add3A_587, %dma_wait3A_594, %dma_wait3A_595] : memref<6400x128x128xf32, #tpu.memory_space<hbm>> -> memref<1x128x128xf32, #tpu.memory_space<hbm>>
    %dma_wait3A_597 = tpu.memref_squeeze %dma_wait3A_596 : memref<1x128x128xf32, #tpu.memory_space<hbm>> -> memref<128x128xf32, #tpu.memory_space<hbm>>
    %dma_wait3A_598 = arith.constant 0 : i32
    %dma_wait3A_599 = arith.constant 0 : i32
    %dma_wait3A_600 = tpu.memref_slice %dma_wait3A_597[%dma_wait3A_598, %dma_wait3A_599] : memref<128x128xf32, #tpu.memory_space<hbm>> -> memref<128x64xf32, #tpu.memory_space<hbm>>
    %dma_wait3A_601 = tpu.memref_slice %arg8[%dma_wait3A_589] : memref<10x!tpu.dma_semaphore, #tpu.memory_space<semaphore_mem>> -> memref<1x!tpu.dma_semaphore, #tpu.memory_space<semaphore_mem>>
    %dma_wait3A_602 = tpu.memref_squeeze %dma_wait3A_601 : memref<1x!tpu.dma_semaphore, #tpu.memory_space<semaphore_mem>> -> memref<!tpu.dma_semaphore, #tpu.memory_space<semaphore_mem>>
    %dma_wait3A_603 = arith.constant 0 : i32
    %dma_wait3A_604 = arith.constant 0 : i32
    %dma_wait3A_605 = tpu.memref_slice %arg4[%add3A_587, %dma_wait3A_603, %dma_wait3A_604] : memref<6400x128x128xf32, #tpu.memory_space<hbm>> -> memref<1x128x128xf32, #tpu.memory_space<hbm>>
    %dma_wait3A_606 = tpu.memref_squeeze %dma_wait3A_605 : memref<1x128x128xf32, #tpu.memory_space<hbm>> -> memref<128x128xf32, #tpu.memory_space<hbm>>
    %dma_wait3A_607 = arith.constant 0 : i32
    %dma_wait3A_608 = arith.constant 0 : i32
    %dma_wait3A_609 = tpu.memref_slice %dma_wait3A_606[%dma_wait3A_607, %dma_wait3A_608] : memref<128x128xf32, #tpu.memory_space<hbm>> -> memref<128x64xf32, #tpu.memory_space<hbm>>
    %dma_wait3A_610 = arith.constant 0 : i32
    %dma_wait3A_611 = arith.constant 0 : i32
    %dma_wait3A_612 = tpu.memref_slice %arg6[%dma_wait3A_588, %dma_wait3A_610, %dma_wait3A_611] : memref<10x128x64xf32, #tpu.memory_space<vmem>> -> memref<1x128x64xf32, #tpu.memory_space<vmem>>
    %dma_wait3A_613 = tpu.memref_squeeze %dma_wait3A_612 : memref<1x128x64xf32, #tpu.memory_space<vmem>> -> memref<128x64xf32, #tpu.memory_space<vmem>>
    tpu.wait_dma2 semaphore(%dma_wait3A_602 : memref<!tpu.dma_semaphore, #tpu.memory_space<semaphore_mem>>) src(%dma_wait3A_613 : memref<128x64xf32, #tpu.memory_space<vmem>>) dst(%dma_wait3A_609 : memref<128x64xf32, #tpu.memory_space<hbm>>)
    %add3A_614 = arith.constant 191 : i32
    %add3A_615 = arith.addi %mul3A_2, %add3A_614 : i32
    %dma_wait3A_616 = arith.constant 1 : i32
    %dma_wait3A_617 = arith.constant 1 : i32
    %dma_wait3A_618 = arith.constant 0 : i32
    %dma_wait3A_619 = arith.constant 0 : i32
    %dma_wait3A_620 = tpu.memref_slice %arg6[%dma_wait3A_616, %dma_wait3A_618, %dma_wait3A_619] : memref<10x128x64xf32, #tpu.memory_space<vmem>> -> memref<1x128x64xf32, #tpu.memory_space<vmem>>
    %dma_wait3A_621 = tpu.memref_squeeze %dma_wait3A_620 : memref<1x128x64xf32, #tpu.memory_space<vmem>> -> memref<128x64xf32, #tpu.memory_space<vmem>>
    %dma_wait3A_622 = arith.constant 0 : i32
    %dma_wait3A_623 = arith.constant 0 : i32
    %dma_wait3A_624 = tpu.memref_slice %arg4[%add3A_615, %dma_wait3A_622, %dma_wait3A_623] : memref<6400x128x128xf32, #tpu.memory_space<hbm>> -> memref<1x128x128xf32, #tpu.memory_space<hbm>>
    %dma_wait3A_625 = tpu.memref_squeeze %dma_wait3A_624 : memref<1x128x128xf32, #tpu.memory_space<hbm>> -> memref<128x128xf32, #tpu.memory_space<hbm>>
    %dma_wait3A_626 = arith.constant 0 : i32
    %dma_wait3A_627 = arith.constant 0 : i32
    %dma_wait3A_628 = tpu.memref_slice %dma_wait3A_625[%dma_wait3A_626, %dma_wait3A_627] : memref<128x128xf32, #tpu.memory_space<hbm>> -> memref<128x64xf32, #tpu.memory_space<hbm>>
    %dma_wait3A_629 = tpu.memref_slice %arg8[%dma_wait3A_617] : memref<10x!tpu.dma_semaphore, #tpu.memory_space<semaphore_mem>> -> memref<1x!tpu.dma_semaphore, #tpu.memory_space<semaphore_mem>>
    %dma_wait3A_630 = tpu.memref_squeeze %dma_wait3A_629 : memref<1x!tpu.dma_semaphore, #tpu.memory_space<semaphore_mem>> -> memref<!tpu.dma_semaphore, #tpu.memory_space<semaphore_mem>>
    %dma_wait3A_631 = arith.constant 0 : i32
    %dma_wait3A_632 = arith.constant 0 : i32
    %dma_wait3A_633 = tpu.memref_slice %arg4[%add3A_615, %dma_wait3A_631, %dma_wait3A_632] : memref<6400x128x128xf32, #tpu.memory_space<hbm>> -> memref<1x128x128xf32, #tpu.memory_space<hbm>>
    %dma_wait3A_634 = tpu.memref_squeeze %dma_wait3A_633 : memref<1x128x128xf32, #tpu.memory_space<hbm>> -> memref<128x128xf32, #tpu.memory_space<hbm>>
    %dma_wait3A_635 = arith.constant 0 : i32
    %dma_wait3A_636 = arith.constant 0 : i32
    %dma_wait3A_637 = tpu.memref_slice %dma_wait3A_634[%dma_wait3A_635, %dma_wait3A_636] : memref<128x128xf32, #tpu.memory_space<hbm>> -> memref<128x64xf32, #tpu.memory_space<hbm>>
    %dma_wait3A_638 = arith.constant 0 : i32
    %dma_wait3A_639 = arith.constant 0 : i32
    %dma_wait3A_640 = tpu.memref_slice %arg6[%dma_wait3A_616, %dma_wait3A_638, %dma_wait3A_639] : memref<10x128x64xf32, #tpu.memory_space<vmem>> -> memref<1x128x64xf32, #tpu.memory_space<vmem>>
    %dma_wait3A_641 = tpu.memref_squeeze %dma_wait3A_640 : memref<1x128x64xf32, #tpu.memory_space<vmem>> -> memref<128x64xf32, #tpu.memory_space<vmem>>
    tpu.wait_dma2 semaphore(%dma_wait3A_630 : memref<!tpu.dma_semaphore, #tpu.memory_space<semaphore_mem>>) src(%dma_wait3A_641 : memref<128x64xf32, #tpu.memory_space<vmem>>) dst(%dma_wait3A_637 : memref<128x64xf32, #tpu.memory_space<hbm>>)
    %add3A_642 = arith.constant 192 : i32
    %add3A_643 = arith.addi %mul3A_2, %add3A_642 : i32
    %dma_wait3A_644 = arith.constant 2 : i32
    %dma_wait3A_645 = arith.constant 2 : i32
    %dma_wait3A_646 = arith.constant 0 : i32
    %dma_wait3A_647 = arith.constant 0 : i32
    %dma_wait3A_648 = tpu.memref_slice %arg6[%dma_wait3A_644, %dma_wait3A_646, %dma_wait3A_647] : memref<10x128x64xf32, #tpu.memory_space<vmem>> -> memref<1x128x64xf32, #tpu.memory_space<vmem>>
    %dma_wait3A_649 = tpu.memref_squeeze %dma_wait3A_648 : memref<1x128x64xf32, #tpu.memory_space<vmem>> -> memref<128x64xf32, #tpu.memory_space<vmem>>
    %dma_wait3A_650 = arith.constant 0 : i32
    %dma_wait3A_651 = arith.constant 0 : i32
    %dma_wait3A_652 = tpu.memref_slice %arg4[%add3A_643, %dma_wait3A_650, %dma_wait3A_651] : memref<6400x128x128xf32, #tpu.memory_space<hbm>> -> memref<1x128x128xf32, #tpu.memory_space<hbm>>
    %dma_wait3A_653 = tpu.memref_squeeze %dma_wait3A_652 : memref<1x128x128xf32, #tpu.memory_space<hbm>> -> memref<128x128xf32, #tpu.memory_space<hbm>>
    %dma_wait3A_654 = arith.constant 0 : i32
    %dma_wait3A_655 = arith.constant 0 : i32
    %dma_wait3A_656 = tpu.memref_slice %dma_wait3A_653[%dma_wait3A_654, %dma_wait3A_655] : memref<128x128xf32, #tpu.memory_space<hbm>> -> memref<128x64xf32, #tpu.memory_space<hbm>>
    %dma_wait3A_657 = tpu.memref_slice %arg8[%dma_wait3A_645] : memref<10x!tpu.dma_semaphore, #tpu.memory_space<semaphore_mem>> -> memref<1x!tpu.dma_semaphore, #tpu.memory_space<semaphore_mem>>
    %dma_wait3A_658 = tpu.memref_squeeze %dma_wait3A_657 : memref<1x!tpu.dma_semaphore, #tpu.memory_space<semaphore_mem>> -> memref<!tpu.dma_semaphore, #tpu.memory_space<semaphore_mem>>
    %dma_wait3A_659 = arith.constant 0 : i32
    %dma_wait3A_660 = arith.constant 0 : i32
    %dma_wait3A_661 = tpu.memref_slice %arg4[%add3A_643, %dma_wait3A_659, %dma_wait3A_660] : memref<6400x128x128xf32, #tpu.memory_space<hbm>> -> memref<1x128x128xf32, #tpu.memory_space<hbm>>
    %dma_wait3A_662 = tpu.memref_squeeze %dma_wait3A_661 : memref<1x128x128xf32, #tpu.memory_space<hbm>> -> memref<128x128xf32, #tpu.memory_space<hbm>>
    %dma_wait3A_663 = arith.constant 0 : i32
    %dma_wait3A_664 = arith.constant 0 : i32
    %dma_wait3A_665 = tpu.memref_slice %dma_wait3A_662[%dma_wait3A_663, %dma_wait3A_664] : memref<128x128xf32, #tpu.memory_space<hbm>> -> memref<128x64xf32, #tpu.memory_space<hbm>>
    %dma_wait3A_666 = arith.constant 0 : i32
    %dma_wait3A_667 = arith.constant 0 : i32
    %dma_wait3A_668 = tpu.memref_slice %arg6[%dma_wait3A_644, %dma_wait3A_666, %dma_wait3A_667] : memref<10x128x64xf32, #tpu.memory_space<vmem>> -> memref<1x128x64xf32, #tpu.memory_space<vmem>>
    %dma_wait3A_669 = tpu.memref_squeeze %dma_wait3A_668 : memref<1x128x64xf32, #tpu.memory_space<vmem>> -> memref<128x64xf32, #tpu.memory_space<vmem>>
    tpu.wait_dma2 semaphore(%dma_wait3A_658 : memref<!tpu.dma_semaphore, #tpu.memory_space<semaphore_mem>>) src(%dma_wait3A_669 : memref<128x64xf32, #tpu.memory_space<vmem>>) dst(%dma_wait3A_665 : memref<128x64xf32, #tpu.memory_space<hbm>>)
    %add3A_670 = arith.constant 193 : i32
    %add3A_671 = arith.addi %mul3A_2, %add3A_670 : i32
    %dma_wait3A_672 = arith.constant 3 : i32
    %dma_wait3A_673 = arith.constant 3 : i32
    %dma_wait3A_674 = arith.constant 0 : i32
    %dma_wait3A_675 = arith.constant 0 : i32
    %dma_wait3A_676 = tpu.memref_slice %arg6[%dma_wait3A_672, %dma_wait3A_674, %dma_wait3A_675] : memref<10x128x64xf32, #tpu.memory_space<vmem>> -> memref<1x128x64xf32, #tpu.memory_space<vmem>>
    %dma_wait3A_677 = tpu.memref_squeeze %dma_wait3A_676 : memref<1x128x64xf32, #tpu.memory_space<vmem>> -> memref<128x64xf32, #tpu.memory_space<vmem>>
    %dma_wait3A_678 = arith.constant 0 : i32
    %dma_wait3A_679 = arith.constant 0 : i32
    %dma_wait3A_680 = tpu.memref_slice %arg4[%add3A_671, %dma_wait3A_678, %dma_wait3A_679] : memref<6400x128x128xf32, #tpu.memory_space<hbm>> -> memref<1x128x128xf32, #tpu.memory_space<hbm>>
    %dma_wait3A_681 = tpu.memref_squeeze %dma_wait3A_680 : memref<1x128x128xf32, #tpu.memory_space<hbm>> -> memref<128x128xf32, #tpu.memory_space<hbm>>
    %dma_wait3A_682 = arith.constant 0 : i32
    %dma_wait3A_683 = arith.constant 0 : i32
    %dma_wait3A_684 = tpu.memref_slice %dma_wait3A_681[%dma_wait3A_682, %dma_wait3A_683] : memref<128x128xf32, #tpu.memory_space<hbm>> -> memref<128x64xf32, #tpu.memory_space<hbm>>
    %dma_wait3A_685 = tpu.memref_slice %arg8[%dma_wait3A_673] : memref<10x!tpu.dma_semaphore, #tpu.memory_space<semaphore_mem>> -> memref<1x!tpu.dma_semaphore, #tpu.memory_space<semaphore_mem>>
    %dma_wait3A_686 = tpu.memref_squeeze %dma_wait3A_685 : memref<1x!tpu.dma_semaphore, #tpu.memory_space<semaphore_mem>> -> memref<!tpu.dma_semaphore, #tpu.memory_space<semaphore_mem>>
    %dma_wait3A_687 = arith.constant 0 : i32
    %dma_wait3A_688 = arith.constant 0 : i32
    %dma_wait3A_689 = tpu.memref_slice %arg4[%add3A_671, %dma_wait3A_687, %dma_wait3A_688] : memref<6400x128x128xf32, #tpu.memory_space<hbm>> -> memref<1x128x128xf32, #tpu.memory_space<hbm>>
    %dma_wait3A_690 = tpu.memref_squeeze %dma_wait3A_689 : memref<1x128x128xf32, #tpu.memory_space<hbm>> -> memref<128x128xf32, #tpu.memory_space<hbm>>
    %dma_wait3A_691 = arith.constant 0 : i32
    %dma_wait3A_692 = arith.constant 0 : i32
    %dma_wait3A_693 = tpu.memref_slice %dma_wait3A_690[%dma_wait3A_691, %dma_wait3A_692] : memref<128x128xf32, #tpu.memory_space<hbm>> -> memref<128x64xf32, #tpu.memory_space<hbm>>
    %dma_wait3A_694 = arith.constant 0 : i32
    %dma_wait3A_695 = arith.constant 0 : i32
    %dma_wait3A_696 = tpu.memref_slice %arg6[%dma_wait3A_672, %dma_wait3A_694, %dma_wait3A_695] : memref<10x128x64xf32, #tpu.memory_space<vmem>> -> memref<1x128x64xf32, #tpu.memory_space<vmem>>
    %dma_wait3A_697 = tpu.memref_squeeze %dma_wait3A_696 : memref<1x128x64xf32, #tpu.memory_space<vmem>> -> memref<128x64xf32, #tpu.memory_space<vmem>>
    tpu.wait_dma2 semaphore(%dma_wait3A_686 : memref<!tpu.dma_semaphore, #tpu.memory_space<semaphore_mem>>) src(%dma_wait3A_697 : memref<128x64xf32, #tpu.memory_space<vmem>>) dst(%dma_wait3A_693 : memref<128x64xf32, #tpu.memory_space<hbm>>)
    %add3A_698 = arith.constant 194 : i32
    %add3A_699 = arith.addi %mul3A_2, %add3A_698 : i32
    %dma_wait3A_700 = arith.constant 4 : i32
    %dma_wait3A_701 = arith.constant 4 : i32
    %dma_wait3A_702 = arith.constant 0 : i32
    %dma_wait3A_703 = arith.constant 0 : i32
    %dma_wait3A_704 = tpu.memref_slice %arg6[%dma_wait3A_700, %dma_wait3A_702, %dma_wait3A_703] : memref<10x128x64xf32, #tpu.memory_space<vmem>> -> memref<1x128x64xf32, #tpu.memory_space<vmem>>
    %dma_wait3A_705 = tpu.memref_squeeze %dma_wait3A_704 : memref<1x128x64xf32, #tpu.memory_space<vmem>> -> memref<128x64xf32, #tpu.memory_space<vmem>>
    %dma_wait3A_706 = arith.constant 0 : i32
    %dma_wait3A_707 = arith.constant 0 : i32
    %dma_wait3A_708 = tpu.memref_slice %arg4[%add3A_699, %dma_wait3A_706, %dma_wait3A_707] : memref<6400x128x128xf32, #tpu.memory_space<hbm>> -> memref<1x128x128xf32, #tpu.memory_space<hbm>>
    %dma_wait3A_709 = tpu.memref_squeeze %dma_wait3A_708 : memref<1x128x128xf32, #tpu.memory_space<hbm>> -> memref<128x128xf32, #tpu.memory_space<hbm>>
    %dma_wait3A_710 = arith.constant 0 : i32
    %dma_wait3A_711 = arith.constant 0 : i32
    %dma_wait3A_712 = tpu.memref_slice %dma_wait3A_709[%dma_wait3A_710, %dma_wait3A_711] : memref<128x128xf32, #tpu.memory_space<hbm>> -> memref<128x64xf32, #tpu.memory_space<hbm>>
    %dma_wait3A_713 = tpu.memref_slice %arg8[%dma_wait3A_701] : memref<10x!tpu.dma_semaphore, #tpu.memory_space<semaphore_mem>> -> memref<1x!tpu.dma_semaphore, #tpu.memory_space<semaphore_mem>>
    %dma_wait3A_714 = tpu.memref_squeeze %dma_wait3A_713 : memref<1x!tpu.dma_semaphore, #tpu.memory_space<semaphore_mem>> -> memref<!tpu.dma_semaphore, #tpu.memory_space<semaphore_mem>>
    %dma_wait3A_715 = arith.constant 0 : i32
    %dma_wait3A_716 = arith.constant 0 : i32
    %dma_wait3A_717 = tpu.memref_slice %arg4[%add3A_699, %dma_wait3A_715, %dma_wait3A_716] : memref<6400x128x128xf32, #tpu.memory_space<hbm>> -> memref<1x128x128xf32, #tpu.memory_space<hbm>>
    %dma_wait3A_718 = tpu.memref_squeeze %dma_wait3A_717 : memref<1x128x128xf32, #tpu.memory_space<hbm>> -> memref<128x128xf32, #tpu.memory_space<hbm>>
    %dma_wait3A_719 = arith.constant 0 : i32
    %dma_wait3A_720 = arith.constant 0 : i32
    %dma_wait3A_721 = tpu.memref_slice %dma_wait3A_718[%dma_wait3A_719, %dma_wait3A_720] : memref<128x128xf32, #tpu.memory_space<hbm>> -> memref<128x64xf32, #tpu.memory_space<hbm>>
    %dma_wait3A_722 = arith.constant 0 : i32
    %dma_wait3A_723 = arith.constant 0 : i32
    %dma_wait3A_724 = tpu.memref_slice %arg6[%dma_wait3A_700, %dma_wait3A_722, %dma_wait3A_723] : memref<10x128x64xf32, #tpu.memory_space<vmem>> -> memref<1x128x64xf32, #tpu.memory_space<vmem>>
    %dma_wait3A_725 = tpu.memref_squeeze %dma_wait3A_724 : memref<1x128x64xf32, #tpu.memory_space<vmem>> -> memref<128x64xf32, #tpu.memory_space<vmem>>
    tpu.wait_dma2 semaphore(%dma_wait3A_714 : memref<!tpu.dma_semaphore, #tpu.memory_space<semaphore_mem>>) src(%dma_wait3A_725 : memref<128x64xf32, #tpu.memory_space<vmem>>) dst(%dma_wait3A_721 : memref<128x64xf32, #tpu.memory_space<hbm>>)
    %add3A_726 = arith.constant 195 : i32
    %add3A_727 = arith.addi %mul3A_2, %add3A_726 : i32
    %dma_wait3A_728 = arith.constant 5 : i32
    %dma_wait3A_729 = arith.constant 5 : i32
    %dma_wait3A_730 = arith.constant 0 : i32
    %dma_wait3A_731 = arith.constant 0 : i32
    %dma_wait3A_732 = tpu.memref_slice %arg6[%dma_wait3A_728, %dma_wait3A_730, %dma_wait3A_731] : memref<10x128x64xf32, #tpu.memory_space<vmem>> -> memref<1x128x64xf32, #tpu.memory_space<vmem>>
    %dma_wait3A_733 = tpu.memref_squeeze %dma_wait3A_732 : memref<1x128x64xf32, #tpu.memory_space<vmem>> -> memref<128x64xf32, #tpu.memory_space<vmem>>
    %dma_wait3A_734 = arith.constant 0 : i32
    %dma_wait3A_735 = arith.constant 0 : i32
    %dma_wait3A_736 = tpu.memref_slice %arg4[%add3A_727, %dma_wait3A_734, %dma_wait3A_735] : memref<6400x128x128xf32, #tpu.memory_space<hbm>> -> memref<1x128x128xf32, #tpu.memory_space<hbm>>
    %dma_wait3A_737 = tpu.memref_squeeze %dma_wait3A_736 : memref<1x128x128xf32, #tpu.memory_space<hbm>> -> memref<128x128xf32, #tpu.memory_space<hbm>>
    %dma_wait3A_738 = arith.constant 0 : i32
    %dma_wait3A_739 = arith.constant 0 : i32
    %dma_wait3A_740 = tpu.memref_slice %dma_wait3A_737[%dma_wait3A_738, %dma_wait3A_739] : memref<128x128xf32, #tpu.memory_space<hbm>> -> memref<128x64xf32, #tpu.memory_space<hbm>>
    %dma_wait3A_741 = tpu.memref_slice %arg8[%dma_wait3A_729] : memref<10x!tpu.dma_semaphore, #tpu.memory_space<semaphore_mem>> -> memref<1x!tpu.dma_semaphore, #tpu.memory_space<semaphore_mem>>
    %dma_wait3A_742 = tpu.memref_squeeze %dma_wait3A_741 : memref<1x!tpu.dma_semaphore, #tpu.memory_space<semaphore_mem>> -> memref<!tpu.dma_semaphore, #tpu.memory_space<semaphore_mem>>
    %dma_wait3A_743 = arith.constant 0 : i32
    %dma_wait3A_744 = arith.constant 0 : i32
    %dma_wait3A_745 = tpu.memref_slice %arg4[%add3A_727, %dma_wait3A_743, %dma_wait3A_744] : memref<6400x128x128xf32, #tpu.memory_space<hbm>> -> memref<1x128x128xf32, #tpu.memory_space<hbm>>
    %dma_wait3A_746 = tpu.memref_squeeze %dma_wait3A_745 : memref<1x128x128xf32, #tpu.memory_space<hbm>> -> memref<128x128xf32, #tpu.memory_space<hbm>>
    %dma_wait3A_747 = arith.constant 0 : i32
    %dma_wait3A_748 = arith.constant 0 : i32
    %dma_wait3A_749 = tpu.memref_slice %dma_wait3A_746[%dma_wait3A_747, %dma_wait3A_748] : memref<128x128xf32, #tpu.memory_space<hbm>> -> memref<128x64xf32, #tpu.memory_space<hbm>>
    %dma_wait3A_750 = arith.constant 0 : i32
    %dma_wait3A_751 = arith.constant 0 : i32
    %dma_wait3A_752 = tpu.memref_slice %arg6[%dma_wait3A_728, %dma_wait3A_750, %dma_wait3A_751] : memref<10x128x64xf32, #tpu.memory_space<vmem>> -> memref<1x128x64xf32, #tpu.memory_space<vmem>>
    %dma_wait3A_753 = tpu.memref_squeeze %dma_wait3A_752 : memref<1x128x64xf32, #tpu.memory_space<vmem>> -> memref<128x64xf32, #tpu.memory_space<vmem>>
    tpu.wait_dma2 semaphore(%dma_wait3A_742 : memref<!tpu.dma_semaphore, #tpu.memory_space<semaphore_mem>>) src(%dma_wait3A_753 : memref<128x64xf32, #tpu.memory_space<vmem>>) dst(%dma_wait3A_749 : memref<128x64xf32, #tpu.memory_space<hbm>>)
    %add3A_754 = arith.constant 196 : i32
    %add3A_755 = arith.addi %mul3A_2, %add3A_754 : i32
    %dma_wait3A_756 = arith.constant 6 : i32
    %dma_wait3A_757 = arith.constant 6 : i32
    %dma_wait3A_758 = arith.constant 0 : i32
    %dma_wait3A_759 = arith.constant 0 : i32
    %dma_wait3A_760 = tpu.memref_slice %arg6[%dma_wait3A_756, %dma_wait3A_758, %dma_wait3A_759] : memref<10x128x64xf32, #tpu.memory_space<vmem>> -> memref<1x128x64xf32, #tpu.memory_space<vmem>>
    %dma_wait3A_761 = tpu.memref_squeeze %dma_wait3A_760 : memref<1x128x64xf32, #tpu.memory_space<vmem>> -> memref<128x64xf32, #tpu.memory_space<vmem>>
    %dma_wait3A_762 = arith.constant 0 : i32
    %dma_wait3A_763 = arith.constant 0 : i32
    %dma_wait3A_764 = tpu.memref_slice %arg4[%add3A_755, %dma_wait3A_762, %dma_wait3A_763] : memref<6400x128x128xf32, #tpu.memory_space<hbm>> -> memref<1x128x128xf32, #tpu.memory_space<hbm>>
    %dma_wait3A_765 = tpu.memref_squeeze %dma_wait3A_764 : memref<1x128x128xf32, #tpu.memory_space<hbm>> -> memref<128x128xf32, #tpu.memory_space<hbm>>
    %dma_wait3A_766 = arith.constant 0 : i32
    %dma_wait3A_767 = arith.constant 0 : i32
    %dma_wait3A_768 = tpu.memref_slice %dma_wait3A_765[%dma_wait3A_766, %dma_wait3A_767] : memref<128x128xf32, #tpu.memory_space<hbm>> -> memref<128x64xf32, #tpu.memory_space<hbm>>
    %dma_wait3A_769 = tpu.memref_slice %arg8[%dma_wait3A_757] : memref<10x!tpu.dma_semaphore, #tpu.memory_space<semaphore_mem>> -> memref<1x!tpu.dma_semaphore, #tpu.memory_space<semaphore_mem>>
    %dma_wait3A_770 = tpu.memref_squeeze %dma_wait3A_769 : memref<1x!tpu.dma_semaphore, #tpu.memory_space<semaphore_mem>> -> memref<!tpu.dma_semaphore, #tpu.memory_space<semaphore_mem>>
    %dma_wait3A_771 = arith.constant 0 : i32
    %dma_wait3A_772 = arith.constant 0 : i32
    %dma_wait3A_773 = tpu.memref_slice %arg4[%add3A_755, %dma_wait3A_771, %dma_wait3A_772] : memref<6400x128x128xf32, #tpu.memory_space<hbm>> -> memref<1x128x128xf32, #tpu.memory_space<hbm>>
    %dma_wait3A_774 = tpu.memref_squeeze %dma_wait3A_773 : memref<1x128x128xf32, #tpu.memory_space<hbm>> -> memref<128x128xf32, #tpu.memory_space<hbm>>
    %dma_wait3A_775 = arith.constant 0 : i32
    %dma_wait3A_776 = arith.constant 0 : i32
    %dma_wait3A_777 = tpu.memref_slice %dma_wait3A_774[%dma_wait3A_775, %dma_wait3A_776] : memref<128x128xf32, #tpu.memory_space<hbm>> -> memref<128x64xf32, #tpu.memory_space<hbm>>
    %dma_wait3A_778 = arith.constant 0 : i32
    %dma_wait3A_779 = arith.constant 0 : i32
    %dma_wait3A_780 = tpu.memref_slice %arg6[%dma_wait3A_756, %dma_wait3A_778, %dma_wait3A_779] : memref<10x128x64xf32, #tpu.memory_space<vmem>> -> memref<1x128x64xf32, #tpu.memory_space<vmem>>
    %dma_wait3A_781 = tpu.memref_squeeze %dma_wait3A_780 : memref<1x128x64xf32, #tpu.memory_space<vmem>> -> memref<128x64xf32, #tpu.memory_space<vmem>>
    tpu.wait_dma2 semaphore(%dma_wait3A_770 : memref<!tpu.dma_semaphore, #tpu.memory_space<semaphore_mem>>) src(%dma_wait3A_781 : memref<128x64xf32, #tpu.memory_space<vmem>>) dst(%dma_wait3A_777 : memref<128x64xf32, #tpu.memory_space<hbm>>)
    %add3A_782 = arith.constant 197 : i32
    %add3A_783 = arith.addi %mul3A_2, %add3A_782 : i32
    %dma_wait3A_784 = arith.constant 7 : i32
    %dma_wait3A_785 = arith.constant 7 : i32
    %dma_wait3A_786 = arith.constant 0 : i32
    %dma_wait3A_787 = arith.constant 0 : i32
    %dma_wait3A_788 = tpu.memref_slice %arg6[%dma_wait3A_784, %dma_wait3A_786, %dma_wait3A_787] : memref<10x128x64xf32, #tpu.memory_space<vmem>> -> memref<1x128x64xf32, #tpu.memory_space<vmem>>
    %dma_wait3A_789 = tpu.memref_squeeze %dma_wait3A_788 : memref<1x128x64xf32, #tpu.memory_space<vmem>> -> memref<128x64xf32, #tpu.memory_space<vmem>>
    %dma_wait3A_790 = arith.constant 0 : i32
    %dma_wait3A_791 = arith.constant 0 : i32
    %dma_wait3A_792 = tpu.memref_slice %arg4[%add3A_783, %dma_wait3A_790, %dma_wait3A_791] : memref<6400x128x128xf32, #tpu.memory_space<hbm>> -> memref<1x128x128xf32, #tpu.memory_space<hbm>>
    %dma_wait3A_793 = tpu.memref_squeeze %dma_wait3A_792 : memref<1x128x128xf32, #tpu.memory_space<hbm>> -> memref<128x128xf32, #tpu.memory_space<hbm>>
    %dma_wait3A_794 = arith.constant 0 : i32
    %dma_wait3A_795 = arith.constant 0 : i32
    %dma_wait3A_796 = tpu.memref_slice %dma_wait3A_793[%dma_wait3A_794, %dma_wait3A_795] : memref<128x128xf32, #tpu.memory_space<hbm>> -> memref<128x64xf32, #tpu.memory_space<hbm>>
    %dma_wait3A_797 = tpu.memref_slice %arg8[%dma_wait3A_785] : memref<10x!tpu.dma_semaphore, #tpu.memory_space<semaphore_mem>> -> memref<1x!tpu.dma_semaphore, #tpu.memory_space<semaphore_mem>>
    %dma_wait3A_798 = tpu.memref_squeeze %dma_wait3A_797 : memref<1x!tpu.dma_semaphore, #tpu.memory_space<semaphore_mem>> -> memref<!tpu.dma_semaphore, #tpu.memory_space<semaphore_mem>>
    %dma_wait3A_799 = arith.constant 0 : i32
    %dma_wait3A_800 = arith.constant 0 : i32
    %dma_wait3A_801 = tpu.memref_slice %arg4[%add3A_783, %dma_wait3A_799, %dma_wait3A_800] : memref<6400x128x128xf32, #tpu.memory_space<hbm>> -> memref<1x128x128xf32, #tpu.memory_space<hbm>>
    %dma_wait3A_802 = tpu.memref_squeeze %dma_wait3A_801 : memref<1x128x128xf32, #tpu.memory_space<hbm>> -> memref<128x128xf32, #tpu.memory_space<hbm>>
    %dma_wait3A_803 = arith.constant 0 : i32
    %dma_wait3A_804 = arith.constant 0 : i32
    %dma_wait3A_805 = tpu.memref_slice %dma_wait3A_802[%dma_wait3A_803, %dma_wait3A_804] : memref<128x128xf32, #tpu.memory_space<hbm>> -> memref<128x64xf32, #tpu.memory_space<hbm>>
    %dma_wait3A_806 = arith.constant 0 : i32
    %dma_wait3A_807 = arith.constant 0 : i32
    %dma_wait3A_808 = tpu.memref_slice %arg6[%dma_wait3A_784, %dma_wait3A_806, %dma_wait3A_807] : memref<10x128x64xf32, #tpu.memory_space<vmem>> -> memref<1x128x64xf32, #tpu.memory_space<vmem>>
    %dma_wait3A_809 = tpu.memref_squeeze %dma_wait3A_808 : memref<1x128x64xf32, #tpu.memory_space<vmem>> -> memref<128x64xf32, #tpu.memory_space<vmem>>
    tpu.wait_dma2 semaphore(%dma_wait3A_798 : memref<!tpu.dma_semaphore, #tpu.memory_space<semaphore_mem>>) src(%dma_wait3A_809 : memref<128x64xf32, #tpu.memory_space<vmem>>) dst(%dma_wait3A_805 : memref<128x64xf32, #tpu.memory_space<hbm>>)
    %add3A_810 = arith.constant 198 : i32
    %add3A_811 = arith.addi %mul3A_2, %add3A_810 : i32
    %dma_wait3A_812 = arith.constant 8 : i32
    %dma_wait3A_813 = arith.constant 8 : i32
    %dma_wait3A_814 = arith.constant 0 : i32
    %dma_wait3A_815 = arith.constant 0 : i32
    %dma_wait3A_816 = tpu.memref_slice %arg6[%dma_wait3A_812, %dma_wait3A_814, %dma_wait3A_815] : memref<10x128x64xf32, #tpu.memory_space<vmem>> -> memref<1x128x64xf32, #tpu.memory_space<vmem>>
    %dma_wait3A_817 = tpu.memref_squeeze %dma_wait3A_816 : memref<1x128x64xf32, #tpu.memory_space<vmem>> -> memref<128x64xf32, #tpu.memory_space<vmem>>
    %dma_wait3A_818 = arith.constant 0 : i32
    %dma_wait3A_819 = arith.constant 0 : i32
    %dma_wait3A_820 = tpu.memref_slice %arg4[%add3A_811, %dma_wait3A_818, %dma_wait3A_819] : memref<6400x128x128xf32, #tpu.memory_space<hbm>> -> memref<1x128x128xf32, #tpu.memory_space<hbm>>
    %dma_wait3A_821 = tpu.memref_squeeze %dma_wait3A_820 : memref<1x128x128xf32, #tpu.memory_space<hbm>> -> memref<128x128xf32, #tpu.memory_space<hbm>>
    %dma_wait3A_822 = arith.constant 0 : i32
    %dma_wait3A_823 = arith.constant 0 : i32
    %dma_wait3A_824 = tpu.memref_slice %dma_wait3A_821[%dma_wait3A_822, %dma_wait3A_823] : memref<128x128xf32, #tpu.memory_space<hbm>> -> memref<128x64xf32, #tpu.memory_space<hbm>>
    %dma_wait3A_825 = tpu.memref_slice %arg8[%dma_wait3A_813] : memref<10x!tpu.dma_semaphore, #tpu.memory_space<semaphore_mem>> -> memref<1x!tpu.dma_semaphore, #tpu.memory_space<semaphore_mem>>
    %dma_wait3A_826 = tpu.memref_squeeze %dma_wait3A_825 : memref<1x!tpu.dma_semaphore, #tpu.memory_space<semaphore_mem>> -> memref<!tpu.dma_semaphore, #tpu.memory_space<semaphore_mem>>
    %dma_wait3A_827 = arith.constant 0 : i32
    %dma_wait3A_828 = arith.constant 0 : i32
    %dma_wait3A_829 = tpu.memref_slice %arg4[%add3A_811, %dma_wait3A_827, %dma_wait3A_828] : memref<6400x128x128xf32, #tpu.memory_space<hbm>> -> memref<1x128x128xf32, #tpu.memory_space<hbm>>
    %dma_wait3A_830 = tpu.memref_squeeze %dma_wait3A_829 : memref<1x128x128xf32, #tpu.memory_space<hbm>> -> memref<128x128xf32, #tpu.memory_space<hbm>>
    %dma_wait3A_831 = arith.constant 0 : i32
    %dma_wait3A_832 = arith.constant 0 : i32
    %dma_wait3A_833 = tpu.memref_slice %dma_wait3A_830[%dma_wait3A_831, %dma_wait3A_832] : memref<128x128xf32, #tpu.memory_space<hbm>> -> memref<128x64xf32, #tpu.memory_space<hbm>>
    %dma_wait3A_834 = arith.constant 0 : i32
    %dma_wait3A_835 = arith.constant 0 : i32
    %dma_wait3A_836 = tpu.memref_slice %arg6[%dma_wait3A_812, %dma_wait3A_834, %dma_wait3A_835] : memref<10x128x64xf32, #tpu.memory_space<vmem>> -> memref<1x128x64xf32, #tpu.memory_space<vmem>>
    %dma_wait3A_837 = tpu.memref_squeeze %dma_wait3A_836 : memref<1x128x64xf32, #tpu.memory_space<vmem>> -> memref<128x64xf32, #tpu.memory_space<vmem>>
    tpu.wait_dma2 semaphore(%dma_wait3A_826 : memref<!tpu.dma_semaphore, #tpu.memory_space<semaphore_mem>>) src(%dma_wait3A_837 : memref<128x64xf32, #tpu.memory_space<vmem>>) dst(%dma_wait3A_833 : memref<128x64xf32, #tpu.memory_space<hbm>>)
    %add3A_838 = arith.constant 199 : i32
    %add3A_839 = arith.addi %mul3A_2, %add3A_838 : i32
    %dma_wait3A_840 = arith.constant 9 : i32
    %dma_wait3A_841 = arith.constant 9 : i32
    %dma_wait3A_842 = arith.constant 0 : i32
    %dma_wait3A_843 = arith.constant 0 : i32
    %dma_wait3A_844 = tpu.memref_slice %arg6[%dma_wait3A_840, %dma_wait3A_842, %dma_wait3A_843] : memref<10x128x64xf32, #tpu.memory_space<vmem>> -> memref<1x128x64xf32, #tpu.memory_space<vmem>>
    %dma_wait3A_845 = tpu.memref_squeeze %dma_wait3A_844 : memref<1x128x64xf32, #tpu.memory_space<vmem>> -> memref<128x64xf32, #tpu.memory_space<vmem>>
    %dma_wait3A_846 = arith.constant 0 : i32
    %dma_wait3A_847 = arith.constant 0 : i32
    %dma_wait3A_848 = tpu.memref_slice %arg4[%add3A_839, %dma_wait3A_846, %dma_wait3A_847] : memref<6400x128x128xf32, #tpu.memory_space<hbm>> -> memref<1x128x128xf32, #tpu.memory_space<hbm>>
    %dma_wait3A_849 = tpu.memref_squeeze %dma_wait3A_848 : memref<1x128x128xf32, #tpu.memory_space<hbm>> -> memref<128x128xf32, #tpu.memory_space<hbm>>
    %dma_wait3A_850 = arith.constant 0 : i32
    %dma_wait3A_851 = arith.constant 0 : i32
    %dma_wait3A_852 = tpu.memref_slice %dma_wait3A_849[%dma_wait3A_850, %dma_wait3A_851] : memref<128x128xf32, #tpu.memory_space<hbm>> -> memref<128x64xf32, #tpu.memory_space<hbm>>
    %dma_wait3A_853 = tpu.memref_slice %arg8[%dma_wait3A_841] : memref<10x!tpu.dma_semaphore, #tpu.memory_space<semaphore_mem>> -> memref<1x!tpu.dma_semaphore, #tpu.memory_space<semaphore_mem>>
    %dma_wait3A_854 = tpu.memref_squeeze %dma_wait3A_853 : memref<1x!tpu.dma_semaphore, #tpu.memory_space<semaphore_mem>> -> memref<!tpu.dma_semaphore, #tpu.memory_space<semaphore_mem>>
    %dma_wait3A_855 = arith.constant 0 : i32
    %dma_wait3A_856 = arith.constant 0 : i32
    %dma_wait3A_857 = tpu.memref_slice %arg4[%add3A_839, %dma_wait3A_855, %dma_wait3A_856] : memref<6400x128x128xf32, #tpu.memory_space<hbm>> -> memref<1x128x128xf32, #tpu.memory_space<hbm>>
    %dma_wait3A_858 = tpu.memref_squeeze %dma_wait3A_857 : memref<1x128x128xf32, #tpu.memory_space<hbm>> -> memref<128x128xf32, #tpu.memory_space<hbm>>
    %dma_wait3A_859 = arith.constant 0 : i32
    %dma_wait3A_860 = arith.constant 0 : i32
    %dma_wait3A_861 = tpu.memref_slice %dma_wait3A_858[%dma_wait3A_859, %dma_wait3A_860] : memref<128x128xf32, #tpu.memory_space<hbm>> -> memref<128x64xf32, #tpu.memory_space<hbm>>
    %dma_wait3A_862 = arith.constant 0 : i32
    %dma_wait3A_863 = arith.constant 0 : i32
    %dma_wait3A_864 = tpu.memref_slice %arg6[%dma_wait3A_840, %dma_wait3A_862, %dma_wait3A_863] : memref<10x128x64xf32, #tpu.memory_space<vmem>> -> memref<1x128x64xf32, #tpu.memory_space<vmem>>
    %dma_wait3A_865 = tpu.memref_squeeze %dma_wait3A_864 : memref<1x128x64xf32, #tpu.memory_space<vmem>> -> memref<128x64xf32, #tpu.memory_space<vmem>>
    tpu.wait_dma2 semaphore(%dma_wait3A_854 : memref<!tpu.dma_semaphore, #tpu.memory_space<semaphore_mem>>) src(%dma_wait3A_865 : memref<128x64xf32, #tpu.memory_space<vmem>>) dst(%dma_wait3A_861 : memref<128x64xf32, #tpu.memory_space<hbm>>)
    return
  }
}

</mosaic_0001>

<sc_bundles>
// kernel: kernel.3.cloned.1.call-start
scs
__scs_entry_jumppad:
0x0: {  	(pc) =	sbr.rel $0x88, $3  }
0x1: {  	(tag) =	ssettag $0x0;
	lr =	simm.s32 $0x1  }
0x2: {  	[smem:$0x3F9F] =	sst lr;
	_ =	strace $0xD0000000  }
0x3: {  	_ = 	snop  }
0x4: {  	_ = 	snop  }
0x5: {  	_ = 	snop  }
0x6: {  	_ = 	snop  }
0x7: {  	_ = 	snop  }
__scs_overlays_trampoline_lowered:
0x8: {  	[smem:$0x3FAE] =	sst s0  }
0x9: {  	[smem:$0x3FAF] =	sst s1  }
0xa: {  	[smem:$0x3FB0] =	sst s2  }
0xb: {  	[smem:$0x3FB1] =	sst s3  }
0xc: {  	[smem:$0x3FB2] =	sst s4  }
0xd: {  	[smem:$0x3FB3] =	sst s5  }
0xe: {  	[smem:$0x3FB4] =	sst s6  }
0xf: {  	[smem:$0x3FB5] =	sst s7  }
0x10: {  	[smem:$0x3FB6] =	sst s8  }
0x11: {  	[smem:$0x3FB7] =	sst s9;
	s0 =	simm.s32 @!p0 $0x0  }
0x12: {  	s1 =	sld [smem:$0x3F9D];
	s0 =	simm.s32 @p0 $0x1  }
0x13: {  	[smem:$0x3FB8] =	sst s0;
	s0 =	simm.s32 @!p1 $0x0  }
0x14: {  	s2 =	sld [smem:$0x3F9C];
	s0 =	simm.s32 @p1 $0x1  }
0x15: {  	[smem:$0x3FB9] =	sst s0;
	s0 =	simm.s32 @!p2 $0x0  }
0x16: {  	s3 =	sld [smem:$0x3FDB];
	s0 =	simm.s32 @p2 $0x1  }
0x17: {  	s4 =	simm.s32 $0x1BF5;
	[smem:$0x3FBB] =	sst s0  }
0x18: {  	s0 =	sld [smem:$0x3F9E];
	_ =	swait.ge [sflag:s4], $0x0  }
0x19: {  	s7 =	sld [smem:$0x3F9F]  }
0x1a: {  	s8 =	sadd.s32 $0xFFFFE003, lr  }
0x1b: {  	s9 =	sadd.s32 $0xFFFFFEF7, lr;
	s5 =	simm.s32 $0xFFFFFFFF;
	p2 =	slt.u32 s8, $0xFFFFF086  }
0x1c: {  	p1 =	slt.u32 s9, $0xF7A;
	s5 =	simm.s32 @!p2 $0x0  }
0x1d: {  	s5 =	simm.s32 @p1 $0x1;
	p0 =	seq.s32 s7, s2  }
0x1e: {  	s7 =	smul.u32 @!p0 $0xF7A, s2;
	p2 =	seq.s32 @!p0 s5, $0x0  }
0x1f: {  	s9 =	smul.u32 $0xF7A, s1;
	s8 =	simm.s32 @!p0 $0x1BF5;
	p2 =	por !p2, p0  }
0x20: {  	[sflag:s8] =	ssyncset.s32 @!p0 $0xFFFFF086;
	s6 =	sadd.s32 @!p0 s3, s7;
	s7 =	simm.s32 @!p0 $0x108  }
0x21: {  	s3 =	sadd.s32 s3, s9;
	s6 =	sadd.s32 @!p0 $0x88, s6;
	s7 =	simm.s32 @p2 $0x1082  }
0x22: {  	[simem:s7], [sflag:s8] =	dma.local @!p0 [hbm:s6], $0xF7A  }
0x23: {  	s9 =	sor.u32 $0xD0000000, s2;
	s6 =	simm.s32 $0x108;
	_ =	swait.ge @!p0 [sflag:s8], $0x0  }
0x24: {  	s3 =	sadd.s32 $0x88, s3;
	s6 =	simm.s32 @!p1 $0x1082;
	[sflag:s4] =	ssyncset.s32 $0xFFFFF086  }
0x25: {  	[simem:s6], [sflag:s4] =	dma.local [hbm:s3], $0xF7A  }
0x26: {  	[smem:$0x3F9F] =	sst s1;
	(tag) =	ssettag s2;
	_ =	strace s9  }
0x27: {  	s1 =	sld [smem:$0x3FAF]  }
0x28: {  	s2 =	sld [smem:$0x3FB0]  }
0x29: {  	s4 =	sld [smem:$0x3FB2]  }
0x2a: {  	p0 =	seq.s32 s5, $0x0;
	s5 =	sld [smem:$0x3FB3]  }
0x2b: {  	s6 =	sld [smem:$0x3FB4]  }
0x2c: {  	s7 =	sld [smem:$0x3FB5]  }
0x2d: {  	s3 =	simm.s32 $0x108;
	s8 =	sld [smem:$0x3FB6]  }
0x2e: {  	s3 =	simm.s32 @!p0 $0x1082;
	s9 =	sld [smem:$0x3FB7]  }
0x2f: {  	lr =	sadd.s32 s0, s3;
	s0 =	sld [smem:$0x3FAE]  }
0x30: {  	s3 =	sld [smem:$0x3FB1]  }
0x31: {  	[smem:$0x3FBA] =	sst s10  }
0x32: {  	s10 =	sld [smem:$0x3FB8];
	_ =	sdelay $0x3  }
0x33: {  	p0 =	seq.s32 s10, $0x1;
	s10 =	sld [smem:$0x3FBA];
	_ =	sdelay $0x3  }
0x34: {  	[smem:$0x3FBA] =	sst s10  }
0x35: {  	s10 =	sld [smem:$0x3FB9];
	_ =	sdelay $0x3  }
0x36: {  	p1 =	seq.s32 s10, $0x1;
	s10 =	sld [smem:$0x3FBA];
	_ =	sdelay $0x3  }
0x37: {  	[smem:$0x3FBA] =	sst s10  }
0x38: {  	s10 =	sld [smem:$0x3FBB]  }
0x39: {  	_ = 	snop;
	(pc) =	sbr.ind lr, $3  }
0x3a: {  	_ = 	snop  }
0x3b: {  	_ = 	snop  }
0x3c: {  	p2 =	seq.s32 s10, $0x1;
	s10 =	sld [smem:$0x3FBA]  }
0x3d: {  	_ =	shalt  }
0x3e: {  	_ =	shalt  }
0x3f: {  	_ =	shalt  }
0x40: {  	_ =	shalt  }
0x41: {  	_ =	shalt  }
0x42: {  	_ =	shalt  }
0x43: {  	_ =	shalt  }
0x44: {  	_ =	shalt  }
0x45: {  	_ =	shalt  }
0x46: {  	_ =	shalt  }
0x47: {  	_ =	shalt  }
0x48: {  	_ =	shalt  }
0x49: {  	_ =	shalt  }
0x4a: {  	_ =	shalt  }
0x4b: {  	_ =	shalt  }
0x4c: {  	_ =	shalt  }
0x4d: {  	_ =	shalt  }
0x4e: {  	_ =	shalt  }
0x4f: {  	_ =	shalt  }
0x50: {  	_ =	shalt  }
0x51: {  	_ =	shalt  }
0x52: {  	_ =	shalt  }
0x53: {  	_ =	shalt  }
0x54: {  	_ =	shalt  }
0x55: {  	_ =	shalt  }
0x56: {  	_ =	shalt  }
0x57: {  	_ =	shalt  }
0x58: {  	_ =	shalt  }
0x59: {  	_ =	shalt  }
0x5a: {  	_ =	shalt  }
0x5b: {  	_ =	shalt  }
0x5c: {  	_ =	shalt  }
0x5d: {  	_ =	shalt  }
0x5e: {  	_ =	shalt  }
0x5f: {  	_ =	shalt  }
0x60: {  	_ =	shalt  }
0x61: {  	_ =	shalt  }
0x62: {  	_ =	shalt  }
0x63: {  	_ =	shalt  }
0x64: {  	_ =	shalt  }
0x65: {  	_ =	shalt  }
0x66: {  	_ =	shalt  }
0x67: {  	_ =	shalt  }
0x68: {  	_ =	shalt  }
0x69: {  	_ =	shalt  }
0x6a: {  	_ =	shalt  }
0x6b: {  	_ =	shalt  }
0x6c: {  	_ =	shalt  }
0x6d: {  	_ =	shalt  }
0x6e: {  	_ =	shalt  }
0x6f: {  	_ =	shalt  }
0x70: {  	_ =	shalt  }
0x71: {  	_ =	shalt  }
0x72: {  	_ =	shalt  }
0x73: {  	_ =	shalt  }
0x74: {  	_ =	shalt  }
0x75: {  	_ =	shalt  }
0x76: {  	_ =	shalt  }
0x77: {  	_ =	shalt  }
0x78: {  	_ =	shalt  }
0x79: {  	_ =	shalt  }
0x7a: {  	_ =	shalt  }
0x7b: {  	_ =	shalt  }
0x7c: {  	_ =	shalt  }
0x7d: {  	_ =	shalt  }
0x7e: {  	_ =	shalt  }
0x7f: {  	_ =	shalt  }
0x80: {  	_ =	shalt  }
0x81: {  	_ =	shalt  }
0x82: {  	_ =	shalt  }
0x83: {  	_ =	shalt  }
0x84: {  	_ =	shalt  }
0x85: {  	_ =	shalt  }
0x86: {  	_ =	shalt  }
0x87: {  	_ =	shalt  }
.Lfunc_end0:
.L_simem_size_0:
called_computation.1_lowered:
.L_overlay_start_0:
0x88: {  	s2 =	sld [smem:$0x3FD9]  }
0x89: {  	s3 =	sld [smem:$0x3FFE];
	_ =	sdelay $0x1  }
0x8a: {  	s1 =	srdreg.scid  }
0x8b: {  	s0 =	sand.u32 $0x1, s1  }
0x8c: {  	s16 =	sshll.u32 s0, $0xA;
	s2 =	sadd.s32 s3, s2  }
0x8d: {  	s2 =	sadd.s32 s2, s16  }
0x8e: {  	[smem:$0x3FC6] =	sst s2  }
0x8f: {  	_ = 	snop  }
0x90: {  	(tm) =	ssettm $0x1  }
0x91: {  	s17 =	sld [smem:$0x3FFB];
	_ =	sdelay $0x3  }
0x92: {  	_ =	strace s17  }
0x93: {  	s2 =	sld [smem:$0x3FFC];
	_ =	sdelay $0x3  }
0x94: {  	_ =	strace s2  }
0x95: {  	s2 =	sld [smem:$0x3FFD];
	_ =	sdelay $0x3  }
0x96: {  	_ =	strace s2  }
0x97: {  	_ =	strace $0x8FFFFFFF  }
0x98: {  	s18 =	sld [smem:$0x3FDB];
	_ =	sdelay $0x1  }
0x99: {  	s19 =	simm.s32 $_scs_section_size  }
0x9a: {  	s4 =	simm.s32 $_size__tile_overlayer_lowered;
	s5 =	simm.s32 $_tile_overlayer_lowered  }
0x9b: {  	s22 =	simm.s32 $0x1BFF;
	s21 =	sshll.u32 s5, $0x1;
	s2 =	sadd.s32 s19, s18  }
0x9c: {  	s6 =	simm.s32 $0x0;
	s20 =	sshll.u32 s4, $0x1;
	s4 =	sadd.s32 s21, s2  }
0x9d: {  	[timem:s6], [sflag:s22] =	dma.local [hbm:s4], s20  }
0x9e: {  	_ =	swait.ge [sflag:s22], s20  }
0x9f: {  	s3 =	ssub.s32 $0x0, s20;
	[sflag:s22] =	ssyncset.done $0x0  }
0xa0: {  	[sflag:s22] =	ssyncadd.s32 s3;
	_ =	sdelay $0x1  }
0xa1: {  	s23 =	simm.s32 $0x1B8B  }
0xa2: {  	_ =	swait.ge [sflag:s23], $0x1  }
0xa3: {  	[sflag:s23] =	ssyncset.done $0x0  }
0xa4: {  	s25 =	simm.s32 $0x1B8E;
	s24 =	sld [smem:$0x3FFE];
	[sflag:s23] =	ssyncadd.s32 $0xFFFFFFFF  }
0xa5: {  	s26 =	simm.s32 $execute0_lowered;
	[smem:$0x3FD2] =	sst s25  }
0xa6: {  	s4 =	sshll.u32 s26, $0x1;
	_ =	strace $0x80000046;
	[dreg:$0x1] =	wrdreg $0xFFFFFFFF  }
0xa7: {  	s28 =	simm.s32 $_size_execute0_lowered;
	s2 =	sadd.s32 s2, s4;
	[dreg:$0x0] =	wrdreg $0x0  }
0xa8: {  	s4 =	sshll.u32 s28, $0x1;
	[dreg:$0x2] =	wrdreg s2  }
0xa9: {  	[dreg:$0x3] =	wrdreg s4  }
0xaa: {  	[dreg:$0x4] =	wrdreg $0xC0  }
0xab: {  	_ =	task [dreg:s6], $0x5FFFF  }
0xac: {  	[dreg:$0x1] =	wrdreg $0xFFFFFFFF  }
0xad: {  	[dreg:$0x0] =	wrdreg $0x60  }
0xae: {  	[dreg:$0x2] =	wrdreg s24  }
0xaf: {  	[dreg:$0x3] =	wrdreg $0x9  }
0xb0: {  	_ =	task.clear_ibuf [dreg:s6], $0x4FFFF;
	_ =	strace $0x90000046  }
0xb1: {  	s29 =	simm.s32 $0x9;
	_ =	strace $0x80000048  }
0xb2: {  	_ =	swait.ge [sflag:s29], $0x1  }
0xb3: {  	[sflag:s29] =	ssyncadd.s32 $0xFFFFFFFF  }
0xb4: {  	_ =	strace $0x90000048  }
0xb5: {  	_ =	sfence  }
0xb6: {  	s30 =	sld [smem:$0x0];
	_ =	sdelay $0x2  }
0xb7: {  	s31 =	sshll.u32 s1, $0xD;
	s1 =	sshrl.u32 s1, $0x2  }
0xb8: {  	s3 =	sand.u32 $0x4000, s31;
	s1 =	sadd.s32 s1, s30  }
0xb9: {  	s0 =	sor.u32 s3, s0;
	s1 =	sshll.u32 s1, $0x11  }
0xba: {  	s0 =	sor.u32 s1, s0  }
0xbb: {  	s0 =	sadd.s32 $0x8F2B, s0  }
0xbc: {  	[sflag:s0] =	ssyncadd.remote.s32 $0x1  }
0xbd: {  	_ =	sfence.sel $0xFFFF  }
0xbe: {  	[dreg:$0x0] =	wrdreg $0xFFFFFFFF;
	(pc) =	sbr.abs _section_cstart, $3  }
0xbf: {  	[dreg:$0x1] =	wrdreg $0xFFFFFFFF  }
0xc0: {  	_ =	task.clear_ibuf [dreg:s6], $0x2FFFF;
	_ =	strace $0x9FFFFFFF  }
0xc1: {  	(tm) =	ssettm $0x7FFFFFFF  }
tec
execute0_lowered:
.L_overlay_start_1:
0x0: {  	(tag) =	ssettag $0x1  }
0x1: {  	s0 =	srdreg.scid;
	s8 =	stileid.u32  }
0x2: {  	s2 =	rddreg [dreg:$0x0];
	s4 =	simm.s32 $0x0;
	s28 =	simm.s32 $0x40  }
0x3: {  	s9 =	simm.s32 $0xA;
	s10 =	simm.s32 $0xB;
	s11 =	simm.s32 $0xC  }
0x4: {  	s12 =	simm.s32 $0xD;
	s13 =	simm.s32 $0xE;
	s14 =	simm.s32 $0xF  }
0x5: {  	s0 =	sand.u32 $0x1, s0;
	s1 =	sshll.u32 s8, $0x1;
	s18 =	smul.u32 $0x190, s8  }
0x6: {  	s1 =	sor.u32 s0, s1;
	s5 =	ssub.s32 $0x2, s0;
	s0 =	smul.u32 $0xC8, s0  }
0x7: {  	s15 =	simm.s32 $0x11;
	[smem:$0x7FF] =	sst s4;
	s3 =	smul.u32 $0xC80, s1  }
0x8: {  	s8 =	simm.s32 $0x9;
	s6 =	smul.u32 $0x320000, s1;
	s7 =	sshrl.u32 s5, $0x1  }
0x9: {  	_ =	strace $0x80000047;
	s1 =	smul.u32 $0x64000, s1;
	s5 =	ssub.s32 s5, s7  }
0xa: {  	s0 =	sadd.s32 s0, s18;
	s18 =	simm.s32 $0x80;
	s17 =	sadd.s32 s3, s2  }
0xb: {  	s3 =	sadd.s32 $0x19800, s2;
	s2 =	sadd.s32 $0xDCE00, s2;
	s31 =	smax.u32 s5, $0x1  }
0xc: {  	s6 =	sshrl.u32 s6, $0x3;
	s4 =	sadd.s32 $0x800, s17;
	[dreg:$0xd] =	wrdreg s31  }
0xd: {  	s19 =	sadd.s32 s2, s6;
	s1 =	sadd.s32 s2, s1;
	[dreg:$0x2] =	wrdreg s4  }
0xe: {  	s7 =	simm.s32 $0x10400;
	[dreg:$0x3] =	wrdreg s1;
	s20 =	sadd.s32 $0x5F800, s19  }
0xf: {  	s0 =	sshll.u32 s0, $0xB;
	s21 =	sadd.s32 $0x60000, s19;
	[dreg:$0x4] =	wrdreg s20  }
0x10: {  	s5 =	simm.s32 $0xC400;
	s22 =	sadd.s32 $0x60800, s19;
	[dreg:$0x5] =	wrdreg s21  }
0x11: {  	s0 =	sadd.s32 s0, s2;
	s23 =	sadd.s32 $0x61000, s19;
	[dreg:$0x6] =	wrdreg s22  }
0x12: {  	s2 =	simm.s32 $0x8400;
	s24 =	sadd.s32 $0x61800, s19;
	[dreg:$0x7] =	wrdreg s23  }
0x13: {  	s6 =	simm.s32 $0xE400;
	s25 =	sadd.s32 $0x62000, s19;
	[dreg:$0x8] =	wrdreg s24  }
0x14: {  	s17 =	simm.s32 $0x12400;
	s26 =	sadd.s32 $0x62800, s19;
	[dreg:$0x9] =	wrdreg s25  }
0x15: {  	s29 =	sadd.s32 $0x63000, s19;
	s30 =	sadd.s32 $0x63800, s19;
	[dreg:$0xa] =	wrdreg s26  }
0x16: {  	s16 =	sadd.s32 $0x800, s0;
	s4 =	simm.s32 $0xA400;
	[dreg:$0xb] =	wrdreg s29  }
0x17: {  	s19 =	simm.s32 $0x10;
	[dreg:$0xc] =	wrdreg s30;
	s21 =	simm.s32 $0x14400  }
0x18: {  	s23 =	simm.s32 $0x16400;
	s25 =	simm.s32 $0x18400;
	s20 =	simm.s32 $0x12  }
0x19: {  	s22 =	simm.s32 $0x13;
	s24 =	simm.s32 $0x14;
	s26 =	simm.s32 $0x0  }
.LBB2_1:
0x1a: {  	s0 =	simm.s32 $0x0;
	s1 =	rddreg [dreg:$0x2]  }
0x1b: {  	[tilespmem:s0], [sflag:$0x15] =	stream.linear.gather [hbm4b:s1+s0], $0x6400, $0x38;
	[tilespmem:$0x1A400] =	vst v63  }
0x1c: {  	s1 =	simm.s32 $0x15  }
0x1d: {  	_ =	swait.ge [sflag:s1], $0x6400  }
0x1e: {  	[sflag:s1] =	ssyncset.done $0x0  }
0x1f: {  	[sflag:s1] =	ssyncadd.s32 $0xFFFF9C00;
	s1 =	simm.s32 $0x6400  }
0x20: {  	[tilespmem:s1], [sflag:$0x1] =	stream.indirect.gather [hbm4b:s3+s18], $0x40, s0, s18, $0xb8;
	[tilespmem:$0x1A400] =	vst v63  }
0x21: {  	_ = 	snop  }
0x22: {  	[tilespmem:s2], [sflag:$0x2] =	stream.indirect.gather [hbm4b:s3+s18], $0x40, s18, s18, $0xb8;
	[tilespmem:$0x1A400] =	vst v63  }
0x23: {  	s2 =	simm.s32 $0x100  }
0x24: {  	[tilespmem:s4], [sflag:$0x3] =	stream.indirect.gather [hbm4b:s3+s18], $0x40, s2, s18, $0xb8;
	[tilespmem:$0x1A400] =	vst v63  }
0x25: {  	s4 =	simm.s32 $0x180  }
0x26: {  	[tilespmem:s5], [sflag:$0x4] =	stream.indirect.gather [hbm4b:s3+s18], $0x40, s4, s18, $0xb8;
	[tilespmem:$0x1A400] =	vst v63  }
0x27: {  	s5 =	simm.s32 $0x200  }
0x28: {  	[tilespmem:s6], [sflag:$0x5] =	stream.indirect.gather [hbm4b:s3+s18], $0x40, s5, s18, $0xb8;
	[tilespmem:$0x1A400] =	vst v63  }
0x29: {  	s6 =	simm.s32 $0x280  }
0x2a: {  	[tilespmem:s7], [sflag:$0x6] =	stream.indirect.gather [hbm4b:s3+s18], $0x40, s6, s18, $0xb8;
	[tilespmem:$0x1A400] =	vst v63  }
0x2b: {  	s6 =	simm.s32 $0x1  }
0x2c: {  	s7 =	simm.s32 $0x300;
	s0 =	smul.u32 $0xCD, s6  }
0x2d: {  	[tilespmem:s17], [sflag:$0x7] =	stream.indirect.gather [hbm4b:s3+s18], $0x40, s7, s18, $0xb8;
	[tilespmem:$0x1A400] =	vst v63  }
0x2e: {  	s17 =	simm.s32 $0x380;
	s0 =	sshrl.u32 s0, $0xB  }
0x2f: {  	[tilespmem:s21], [sflag:$0x8] =	stream.indirect.gather [hbm4b:s3+s18], $0x40, s17, s18, $0xb8;
	[tilespmem:$0x1A400] =	vst v63  }
0x30: {  	s0 =	sand.u32 $0x1F, s0  }
0x31: {  	s2 =	simm.s32 $0x400;
	s4 =	simm.s32 $0x1;
	s0 =	smul.u32 $0xA, s0  }
0x32: {  	[tilespmem:s23], [sflag:$0x9] =	stream.indirect.gather [hbm4b:s3+s18], $0x40, s2, s18, $0xb8;
	[tilespmem:$0x1A400] =	vst v63  }
0x33: {  	s29 =	simm.s32 $0x500;
	_ =	swait.ge [sflag:s4], $0x2000  }
0x34: {  	s17 =	sand.u32 $0xFF, s9;
	s0 =	ssub.s32 $0x1, s0;
	[sflag:s4] =	ssyncset.done $0x0  }
0x35: {  	s5 =	rddreg [dreg:$0x3];
	s0 =	sand.u32 $0xFF, s0;
	[sflag:s4] =	ssyncadd.s32 $0xFFFFE000  }
0x36: {  	[hbm4b:s5+s28] =	stream.strided.scatter [tilespmem:s1], [sflag:$0xB], $0x2000, s18, s28, $0x38;
	[tilespmem:$0x1A400] =	vst v63  }
0x37: {  	s7 =	simm.s32 $0x480;
	s21 =	sadd.s32 $0x1, s0;
	s1 =	smul.u32 $0xCD, s17  }
0x38: {  	[tilespmem:s25], [sflag:$0xA] =	stream.indirect.gather [hbm4b:s3+s18], $0x40, s7, s18, $0xb8;
	[tilespmem:$0x1A400] =	vst v63  }
0x39: {  	s31 =	simm.s32 $0xB;
	s1 =	sshrl.u32 s1, $0xB;
	_ =	swait.ge [sflag:s21], $0x2000  }
0x3a: {  	s25 =	sshll.u32 s0, $0xD;
	s0 =	sadd.s32 $0xB, s0;
	[sflag:s21] =	ssyncset.done $0x0  }
0x3b: {  	s1 =	smul.u32 $0xA, s1;
	s17 =	sadd.s32 $0x6400, s25;
	[sflag:s21] =	ssyncadd.s32 $0xFFFFE000  }
0x3c: {  	[hbm4b:s16+s28] =	stream.strided.scatter [tilespmem:s17], [sflag:s0], $0x2000, s18, s28, $0x38;
	[tilespmem:$0x1A400] =	vst v63  }
0x3d: {  	s30 =	simm.s32 $0xC;
	s1 =	ssub.s32 $0xA, s1;
	s17 =	simm.s32 $0x2  }
0x3e: {  	s23 =	sand.u32 $0xFF, s1;
	s0 =	sadd.s32 $0x800, s16;
	s2 =	smul.u32 $0xCD, s17  }
0x3f: {  	s1 =	simm.s32 $0x500;
	s25 =	sshll.u32 s23, $0xD;
	s21 =	sadd.s32 $0xB, s23  }
.LBB2_2:
0x40: {  	s2 =	sshrl.u32 s2, $0xB;
	s29 =	sadd.s32 $0x80, s29  }
0x41: {  	s4 =	smov.u32 s30;
	s5 =	sadd.s32 $0x1, s30;
	s6 =	smov.u32 s0  }
0x42: {  	p0 =	sne.s32 s30, $0xC7;
	s2 =	sand.u32 $0x1F, s2  }
0x43: {  	s30 =	sand.u32 $0xFF, s31;
	s25 =	sadd.s32 $0x6400, s25;
	s2 =	smul.u32 $0xA, s2  }
0x44: {  	s0 =	sadd.s32 $0x800, s0;
	s30 =	smul.u32 $0xCD, s30;
	_ =	swait.ge [sflag:s21], $0x2000  }
0x45: {  	s2 =	ssub.s32 s17, s2;
	[sflag:s21] =	ssyncset.done $0x0;
	s17 =	sadd.s32 $0x1, s23  }
0x46: {  	s23 =	sshrl.u32 s30, $0xB;
	s2 =	sand.u32 $0xFF, s2;
	[sflag:s21] =	ssyncadd.s32 $0xFFFFE000  }
0x47: {  	s23 =	smul.u32 $0xA, s23;
	s30 =	sadd.s32 $0x1, s2;
	s21 =	sshll.u32 s2, $0xD  }
0x48: {  	[tilespmem:s25], [sflag:s17] =	stream.indirect.gather [hbm4b:s3+s18], $0x40, s1, s18, $0xb8;
	[tilespmem:$0x1A400] =	vst v63  }
0x49: {  	s7 =	sadd.s32 $0x6400, s21;
	s1 =	ssub.s32 s31, s23;
	s31 =	smov.u32 s4  }
.Ltmp0:
0x4a: {  	s4 =	sadd.s32 $0xB, s2;
	s23 =	sand.u32 $0xFF, s1;
	(pc) =	sbr.rel @p0 .LBB2_2-.Ltmp0, $4  }
0x4b: {  	s1 =	smov.u32 s29;
	s25 =	sshll.u32 s23, $0xD;
	_ =	swait.ge [sflag:s30], $0x2000  }
0x4c: {  	s17 =	sadd.s32 $0xFFFFFFF7, s31;
	s21 =	sadd.s32 $0xB, s23;
	[sflag:s30] =	ssyncset.done $0x0  }
0x4d: {  	s2 =	smul.u32 $0xCD, s17;
	[sflag:s30] =	ssyncadd.s32 $0xFFFFE000;
	s30 =	smov.u32 s5  }
0x4e: {  	[hbm4b:s6+s28] =	stream.strided.scatter [tilespmem:s7], [sflag:s4], $0x2000, s18, s28, $0x38;
	[tilespmem:$0x1A400] =	vst v63  }
0x4f: {  	_ =	swait.ge [sflag:s21], $0x2000;
	s2 =	sshrl.u32 s2, $0xB  }
0x50: {  	s4 =	sadd.s32 $0x6400, s25;
	[sflag:s21] =	ssyncset.done $0x0;
	s2 =	sand.u32 $0x1F, s2  }
0x51: {  	s5 =	sadd.s32 $0x1, s23;
	[sflag:s21] =	ssyncadd.s32 $0xFFFFE000;
	s2 =	smul.u32 $0xA, s2  }
0x52: {  	[tilespmem:s4], [sflag:s5] =	stream.indirect.gather [hbm4b:s3+s18], $0x40, s1, s18, $0xb8;
	[tilespmem:$0x1A400] =	vst v63  }
0x53: {  	s23 =	sand.u32 $0xFF, s31;
	s21 =	ssub.s32 s17, s2  }
0x54: {  	s2 =	smul.u32 $0xCD, s23;
	s1 =	sand.u32 $0xFF, s21  }
0x55: {  	s25 =	sadd.s32 $0x1, s1  }
0x56: {  	s2 =	sshrl.u32 s2, $0xB;
	_ =	swait.ge [sflag:s25], $0x2000  }
0x57: {  	s30 =	sshll.u32 s1, $0xD;
	s1 =	sadd.s32 $0xB, s1;
	[sflag:s25] =	ssyncset.done $0x0  }
0x58: {  	s2 =	smul.u32 $0xA, s2;
	s4 =	sadd.s32 $0x6400, s30;
	[sflag:s25] =	ssyncadd.s32 $0xFFFFE000  }
0x59: {  	[hbm4b:s0+s28] =	stream.strided.scatter [tilespmem:s4], [sflag:s1], $0x2000, s18, s28, $0x38;
	[tilespmem:$0x1A400] =	vst v63  }
0x5a: {  	s1 =	ssub.s32 s31, s2  }
0x5b: {  	s0 =	sand.u32 $0xFF, s1  }
0x5c: {  	s2 =	sadd.s32 $0xB, s0  }
0x5d: {  	s6 =	simm.s32 $0x2;
	_ =	swait.ge [sflag:s2], $0x2000  }
0x5e: {  	s5 =	sadd.s32 $0x80, s29;
	s4 =	sshll.u32 s0, $0xD;
	[sflag:s2] =	ssyncset.done $0x0  }
0x5f: {  	s0 =	sadd.s32 $0x1, s0;
	s1 =	sadd.s32 $0x6400, s4;
	[sflag:s2] =	ssyncadd.s32 $0xFFFFE000  }
0x60: {  	[tilespmem:s1], [sflag:s0] =	stream.indirect.gather [hbm4b:s3+s18], $0x40, s5, s18, $0xb8;
	[tilespmem:$0x1A400] =	vst v63  }
0x61: {  	_ =	swait.ge [sflag:s6], $0x2000  }
0x62: {  	s17 =	simm.s32 $0x3;
	[sflag:s6] =	ssyncset.done $0x0  }
0x63: {  	s2 =	simm.s32 $0x8400;
	s7 =	rddreg [dreg:$0x4];
	[sflag:s6] =	ssyncadd.s32 $0xFFFFE000  }
0x64: {  	[hbm4b:s7+s28] =	stream.strided.scatter [tilespmem:s2], [sflag:$0xC], $0x2000, s18, s28, $0x38;
	[tilespmem:$0x1A400] =	vst v63  }
0x65: {  	_ =	swait.ge [sflag:s17], $0x2000  }
0x66: {  	s23 =	simm.s32 $0x4;
	[sflag:s17] =	ssyncset.done $0x0  }
0x67: {  	s4 =	simm.s32 $0xA400;
	s21 =	rddreg [dreg:$0x5];
	[sflag:s17] =	ssyncadd.s32 $0xFFFFE000  }
0x68: {  	[hbm4b:s21+s28] =	stream.strided.scatter [tilespmem:s4], [sflag:$0xD], $0x2000, s18, s28, $0x38;
	[tilespmem:$0x1A400] =	vst v63  }
0x69: {  	_ =	swait.ge [sflag:s23], $0x2000  }
0x6a: {  	s29 =	simm.s32 $0x5;
	[sflag:s23] =	ssyncset.done $0x0  }
0x6b: {  	s5 =	simm.s32 $0xC400;
	s25 =	rddreg [dreg:$0x6];
	[sflag:s23] =	ssyncadd.s32 $0xFFFFE000  }
0x6c: {  	[hbm4b:s25+s28] =	stream.strided.scatter [tilespmem:s5], [sflag:$0xE], $0x2000, s18, s28, $0x38;
	[tilespmem:$0x1A400] =	vst v63  }
0x6d: {  	_ =	swait.ge [sflag:s29], $0x2000  }
0x6e: {  	s31 =	simm.s32 $0x6;
	[sflag:s29] =	ssyncset.done $0x0  }
0x6f: {  	s6 =	simm.s32 $0xE400;
	s30 =	rddreg [dreg:$0x7];
	[sflag:s29] =	ssyncadd.s32 $0xFFFFE000  }
0x70: {  	[hbm4b:s30+s28] =	stream.strided.scatter [tilespmem:s6], [sflag:$0xF], $0x2000, s18, s28, $0x38;
	[tilespmem:$0x1A400] =	vst v63  }
0x71: {  	_ =	swait.ge [sflag:s31], $0x2000  }
0x72: {  	s7 =	simm.s32 $0x10400;
	[sflag:s31] =	ssyncset.done $0x0  }
0x73: {  	s17 =	simm.s32 $0x7;
	s1 =	rddreg [dreg:$0x8];
	[sflag:s31] =	ssyncadd.s32 $0xFFFFE000  }
0x74: {  	[hbm4b:s1+s28] =	stream.strided.scatter [tilespmem:s7], [sflag:$0x10], $0x2000, s18, s28, $0x38;
	[tilespmem:$0x1A400] =	vst v63  }
0x75: {  	_ =	swait.ge [sflag:s17], $0x2000  }
0x76: {  	s23 =	simm.s32 $0x8;
	[sflag:s17] =	ssyncset.done $0x0  }
0x77: {  	s21 =	rddreg [dreg:$0x9];
	[sflag:s17] =	ssyncadd.s32 $0xFFFFE000;
	s17 =	simm.s32 $0x12400  }
0x78: {  	[hbm4b:s21+s28] =	stream.strided.scatter [tilespmem:s17], [sflag:$0x11], $0x2000, s18, s28, $0x38;
	[tilespmem:$0x1A400] =	vst v63  }
0x79: {  	_ =	swait.ge [sflag:s23], $0x2000  }
0x7a: {  	[sflag:s23] =	ssyncset.done $0x0  }
0x7b: {  	s21 =	simm.s32 $0x14400;
	s25 =	rddreg [dreg:$0xa];
	[sflag:s23] =	ssyncadd.s32 $0xFFFFE000  }
0x7c: {  	[hbm4b:s25+s28] =	stream.strided.scatter [tilespmem:s21], [sflag:$0x12], $0x2000, s18, s28, $0x38;
	[tilespmem:$0x1A400] =	vst v63  }
0x7d: {  	_ =	swait.ge [sflag:s8], $0x2000  }
0x7e: {  	[sflag:s8] =	ssyncset.done $0x0  }
0x7f: {  	s23 =	simm.s32 $0x16400;
	s29 =	rddreg [dreg:$0xb];
	[sflag:s8] =	ssyncadd.s32 $0xFFFFE000  }
0x80: {  	[hbm4b:s29+s28] =	stream.strided.scatter [tilespmem:s23], [sflag:$0x13], $0x2000, s18, s28, $0x38;
	[tilespmem:$0x1A400] =	vst v63  }
0x81: {  	_ =	swait.ge [sflag:s9], $0x2000  }
0x82: {  	[sflag:s9] =	ssyncset.done $0x0  }
0x83: {  	s25 =	simm.s32 $0x18400;
	s30 =	rddreg [dreg:$0xc];
	[sflag:s9] =	ssyncadd.s32 $0xFFFFE000  }
0x84: {  	[hbm4b:s30+s28] =	stream.strided.scatter [tilespmem:s25], [sflag:$0x14], $0x2000, s18, s28, $0x38;
	[tilespmem:$0x1A400] =	vst v63  }
0x85: {  	_ =	swait.ge [sflag:s10], $0x2000  }
0x86: {  	[sflag:s10] =	ssyncset.done $0x0  }
0x87: {  	[sflag:s10] =	ssyncadd.s32 $0xFFFFE000  }
0x88: {  	_ =	swait.ge [sflag:s11], $0x2000  }
0x89: {  	[sflag:s11] =	ssyncset.done $0x0  }
0x8a: {  	[sflag:s11] =	ssyncadd.s32 $0xFFFFE000  }
0x8b: {  	_ =	swait.ge [sflag:s12], $0x2000  }
0x8c: {  	[sflag:s12] =	ssyncset.done $0x0  }
0x8d: {  	[sflag:s12] =	ssyncadd.s32 $0xFFFFE000  }
0x8e: {  	_ =	swait.ge [sflag:s13], $0x2000  }
0x8f: {  	[sflag:s13] =	ssyncset.done $0x0  }
0x90: {  	[sflag:s13] =	ssyncadd.s32 $0xFFFFE000  }
0x91: {  	_ =	swait.ge [sflag:s14], $0x2000  }
0x92: {  	[sflag:s14] =	ssyncset.done $0x0  }
0x93: {  	[sflag:s14] =	ssyncadd.s32 $0xFFFFE000  }
0x94: {  	_ =	swait.ge [sflag:s19], $0x2000  }
0x95: {  	[sflag:s19] =	ssyncset.done $0x0  }
0x96: {  	[sflag:s19] =	ssyncadd.s32 $0xFFFFE000  }
0x97: {  	_ =	swait.ge [sflag:s15], $0x2000  }
0x98: {  	[sflag:s15] =	ssyncset.done $0x0  }
0x99: {  	[sflag:s15] =	ssyncadd.s32 $0xFFFFE000  }
0x9a: {  	_ =	swait.ge [sflag:s20], $0x2000  }
0x9b: {  	[sflag:s20] =	ssyncset.done $0x0  }
0x9c: {  	[sflag:s20] =	ssyncadd.s32 $0xFFFFE000  }
0x9d: {  	_ =	swait.ge [sflag:s22], $0x2000  }
0x9e: {  	[sflag:s22] =	ssyncset.done $0x0  }
0x9f: {  	[sflag:s22] =	ssyncadd.s32 $0xFFFFE000  }
0xa0: {  	_ =	swait.ge [sflag:s24], $0x2000  }
0xa1: {  	s26 =	sadd.s32 $0x1, s26;
	s31 =	rddreg [dreg:$0xd]  }
0xa2: {  	p0 =	sne.s32 s26, s31  }
.Ltmp1:
0xa3: {  	_ = 	snop;
	(pc) =	sbr.rel @p0 .LBB2_1-.Ltmp1, $3  }
0xa4: {  	_ =	sdelay $0x1  }
0xa5: {  	[sflag:s24] =	ssyncset.done $0x0  }
0xa6: {  	[sflag:s24] =	ssyncadd.s32 $0xFFFFE000  }
0xa7: {  	_ =	sfence.sel $0x180000  }
0xa8: {  	[bflag:$0x0] =	sbarrier.arrive $0xFFFF  }
0xa9: {  	_ =	strace $0x90000047  }
0xaa: {  	s0 =	stileid.u32;
	[bflag:$0x2] =	sbarrier.arrive $0xFFFF  }
0xab: {  	p0 =	sne.s32 s0, $0x0;
	s0 =	rddreg [dreg:$0x1]  }
0xac: {  	s0 =	sadd.s32 @!p0 $0x100000, s0  }
0xad: {  	[sflag:s0] =	ssyncadd.tile.s32 @!p0 $0x1;
	_ =	shalt  }
.Lfunc_end2:
_tile_overlayer_lowered:
.L_overlay_start_2:
0xae: {  	(tag) =	ssettag $0x2  }
0xaf: {  	s0 =	rddreg [dreg:$0x0];
	s2 =	stileid.u32  }
0xb0: {  	s1 =	rddreg [dreg:$0x1];
	p0 =	sne.s32 s2, $0x0  }
0xb1: {  	s3 =	rddreg [dreg:$0x2];
	[bflag:$0x3] =	sbarrier.arrive $0xFFFF;
	s2 =	simm.s32 @!p0 $0x1C15  }
0xb2: {  	[timem:s3], [sflag:s2] =	dma.local @!p0 [hbm:s0], s1  }
0xb3: {  	s0 =	simm.s32 @!p0 $0x15  }
0xb4: {  	_ =	swait.ge @!p0 [sflag:s0], s1  }
0xb5: {  	s1 =	ssub.s32 @!p0 $0x0, s1;
	[sflag:s0] =	ssyncset.done @!p0 $0x0  }
0xb6: {  	[sflag:s0] =	ssyncadd.s32 @!p0 s1  }
0xb7: {  	[bflag:$0x3] =	sbarrier.arrive $0xFFFF  }
0xb8: {  	_ =	shalt  }

// kernel: sparse-core-data-format-call.cloned.1.call-start
scs
called_computation_lowered:
.L_overlay_start_0:
0x0: {  	s2 =	sld [smem:$0x3FD9]  }
0x1: {  	s3 =	sld [smem:$0x3FFE];
	_ =	sdelay $0x1  }
0x2: {  	s1 =	srdreg.scid  }
0x3: {  	s0 =	sand.u32 $0x1, s1  }
0x4: {  	s18 =	sshll.u32 s0, $0xA;
	s2 =	sadd.s32 s3, s2  }
0x5: {  	s2 =	sadd.s32 s2, s18  }
0x6: {  	[smem:$0x3FC6] =	sst s2  }
0x7: {  	_ = 	snop  }
0x8: {  	s2 =	sld [smem:$0x3FD0];
	(tm) =	ssettm $0x1  }
0x9: {  	s19 =	sld [smem:$0x3FFB];
	_ =	sdelay $0x3  }
0xa: {  	_ =	strace s19  }
0xb: {  	s3 =	sld [smem:$0x3FFC];
	_ =	sdelay $0x3  }
0xc: {  	_ =	strace s3  }
0xd: {  	s3 =	sld [smem:$0x3FFD];
	_ =	sdelay $0x3  }
0xe: {  	_ =	strace s3  }
0xf: {  	_ =	strace $0x8FFFFFFF  }
0x10: {  	s20 =	sld [smem:$0x3FDB];
	_ =	sdelay $0x1  }
0x11: {  	s4 =	simm.s32 $_scs_section_size  }
0x12: {  	s5 =	simm.s32 $_size__tile_overlayer_lowered;
	s6 =	simm.s32 $_tile_overlayer_lowered  }
0x13: {  	s23 =	simm.s32 $0x1BFF;
	s22 =	sshll.u32 s6, $0x1;
	s3 =	sadd.s32 s4, s20  }
0x14: {  	s7 =	simm.s32 $0x0;
	s21 =	sshll.u32 s5, $0x1;
	s5 =	sadd.s32 s22, s3  }
0x15: {  	[timem:s7], [sflag:s23] =	dma.local [hbm:s5], s21  }
0x16: {  	_ =	swait.ge [sflag:s23], s21  }
0x17: {  	s4 =	ssub.s32 $0x0, s21;
	[sflag:s23] =	ssyncset.done $0x0  }
0x18: {  	[sflag:s23] =	ssyncadd.s32 s4;
	_ =	sdelay $0x1  }
0x19: {  	s24 =	simm.s32 $0x1B8B  }
0x1a: {  	_ =	swait.ge [sflag:s24], $0x1  }
0x1b: {  	[sflag:s24] =	ssyncset.done $0x0  }
0x1c: {  	s26 =	simm.s32 $0x1B8E;
	s25 =	sld [smem:$0x3FFE];
	[sflag:s24] =	ssyncadd.s32 $0xFFFFFFFF  }
0x1d: {  	s27 =	simm.s32 $execute0_lowered;
	[smem:$0x3FD2] =	sst s26  }
0x1e: {  	s5 =	sshll.u32 s27, $0x1;
	_ =	strace $0x80000049;
	[dreg:$0x1] =	wrdreg $0xFFFFFFFF  }
0x1f: {  	s28 =	simm.s32 $_size_execute0_lowered;
	s3 =	sadd.s32 s3, s5;
	[dreg:$0x0] =	wrdreg $0x0  }
0x20: {  	s5 =	sshll.u32 s28, $0x1;
	[dreg:$0x2] =	wrdreg s3  }
0x21: {  	[dreg:$0x3] =	wrdreg s5  }
0x22: {  	[dreg:$0x4] =	wrdreg $0xC0  }
0x23: {  	_ =	task [dreg:s7], $0x5FFFF  }
0x24: {  	[dreg:$0x1] =	wrdreg $0xFFFFFFFF  }
0x25: {  	[dreg:$0x0] =	wrdreg $0x60  }
0x26: {  	[dreg:$0x2] =	wrdreg s25  }
0x27: {  	[dreg:$0x3] =	wrdreg s2  }
0x28: {  	[dreg:$0x4] =	wrdreg $0x9  }
0x29: {  	_ =	task.clear_ibuf [dreg:s7], $0x5FFFF;
	_ =	strace $0x90000049  }
0x2a: {  	s29 =	simm.s32 $0x9;
	_ =	strace $0x8000004B  }
0x2b: {  	_ =	swait.ge [sflag:s29], $0x1  }
0x2c: {  	[sflag:s29] =	ssyncadd.s32 $0xFFFFFFFF  }
0x2d: {  	_ =	strace $0x9000004B  }
0x2e: {  	_ =	sfence  }
0x2f: {  	s30 =	sld [smem:$0x0];
	_ =	sdelay $0x2  }
0x30: {  	s31 =	sshll.u32 s1, $0xD;
	s1 =	sshrl.u32 s1, $0x2  }
0x31: {  	s3 =	sand.u32 $0x4000, s31;
	s1 =	sadd.s32 s1, s30  }
0x32: {  	s0 =	sor.u32 s3, s0;
	s1 =	sshll.u32 s1, $0x11  }
0x33: {  	s0 =	sor.u32 s1, s0  }
0x34: {  	s0 =	sadd.s32 $0x8F2B, s0  }
0x35: {  	[sflag:s0] =	ssyncadd.remote.s32 $0x1  }
0x36: {  	_ =	sfence.sel $0xFFFF  }
0x37: {  	[dreg:$0x0] =	wrdreg $0xFFFFFFFF;
	(pc) =	sbr.abs _section_cstart, $3  }
0x38: {  	[dreg:$0x1] =	wrdreg $0xFFFFFFFF  }
0x39: {  	_ =	task.clear_ibuf [dreg:s7], $0x2FFFF;
	_ =	strace $0x9FFFFFFF  }
0x3a: {  	(tm) =	ssettm $0x7FFFFFFF  }
0x3b: {  	_ =	shalt  }
tec
execute0_lowered:
.L_overlay_start_1:
0x0: {  	(tag) =	ssettag $0x1  }
0x1: {  	s0 =	srdreg.scid  }
0x2: {  	s1 =	sshll.u32 s0, $0x4  }
0x3: {  	s0 =	stileid.u32;
	s1 =	sand.u32 $0x10, s1  }
0x4: {  	s1 =	sor.u32 s0, s1  }
0x5: {  	s6 =	rddreg [dreg:$0x0];
	s4 =	simm.s32 $0x1;
	s2 =	sshll.u32 s1, $0x7  }
0x6: {  	s7 =	simm.s32 $0x2;
	s12 =	simm.s32 $0x0;
	s1 =	ssub.s32 $0x1000, s2  }
0x7: {  	s8 =	simm.s32 $0x8000;
	s13 =	simm.s32 $0x0;
	s3 =	sand.u32 $0xF80, s1  }
0x8: {  	s9 =	simm.s32 $0x0;
	s5 =	sshrl.u32 s1, $0xC;
	p0 =	sne.s32 s3, $0x0  }
.Ltmp0:
0x9: {  	s1 =	rddreg [dreg:$0x2];
	s4 =	simm.s32 @!p0 $0x0;
	(pc) =	sbr.rel .LBB1_1-.Ltmp0, $4  }
0xa: {  	s11 =	simm.s32 $0x0;
	s3 =	rddreg [dreg:$0x1];
	s5 =	sadd.s32 s4, s5  }
0xb: {  	_ =	strace $0x8000004A;
	s4 =	simm.s32 $0x1;
	s5 =	smul.u32 $0xC8, s5  }
0xc: {  	s6 =	sadd.s32 $0xDCE00, s6;
	s10 =	smov.u32 s2;
	[sflag:s4] =	ssyncpa.u1 $0x0  }
0xd: {  	p0 =	por $0x0, $0x0;
	[sflag:s7] =	ssyncpa.u1 $0x0;
	s7 =	sor.u32 $0x1, s5  }
.LBB1_4:
0xe: {  	s16 =	sshll.u32 s13, $0x3;
	s17 =	sand.u32 $0x78, s13  }
0xf: {  	s30 =	sand.u32 $0x7E00, s13;
	s12 =	sshll.u32 s12, $0xF;
	s16 =	sand.u32 $0xC00, s16  }
0x10: {  	[tilespmem:s15+$0x810 ss:$0x81] =	vst.msk $0xffff, v2;
	s31 =	sand.u32 $0x7, s13;
	s16 =	sor.u32 s17, s16;
	s17 =	sadd.s32 s3, s30  }
0x11: {  	[tilespmem:s15+$0x1020 ss:$0x81] =	vst.msk $0xffff, v0;
	s13 =	sshll.u32 s31, $0x12;
	s12 =	sadd.s32 s12, s17;
	s16 =	sshrl.u32 s16, $0x3  }
0x12: {  	[tilespmem:s15+$0x0 ss:$0x81] =	vst.msk $0xffff, v1;
	s13 =	sor.u32 $0x400, s13;
	s12 =	sadd.s32 s16, s12  }
0x13: {  	[hbm4b:s12+s13] =	stream.strided.scatter [tilespmem:s14], [sflag:$0x2], $0x2000, s8, s13, $0x20;
	[tilespmem:$0x8080] =	vst v63  }
.LBB1_5:
0x14: {  	s14 =	sadd.s32 $0x1, s9  }
0x15: {  	s12 =	sadd.s32 $0x1000, s10;
	s16 =	smov.u32 s10;
	p2 =	sgt.s32 s14, $0xC7  }
0x16: {  	s16 =	smov.u32 @p2 s12  }
0x17: {  	s14 =	simm.s32 @p2 $0x0;
	p2 =	sgt.s32 s16, $0xFFF  }
0x18: {  	s16 =	smov.u32 @p2 s2;
	p2 =	sne.s32 s11, s7  }
.Ltmp1:
0x19: {  	p1 =	slt.u32 s11, $0x2;
	(pc) =	sbr.rel @!p2 .LBB1_6-.Ltmp1, $4  }
0x1a: {  	s15 =	simm.s32 @!p1 $0x2  }
0x1b: {  	s13 =	smov.u32 s10;
	p0 =	por !p0, !p0;
	_ =	swait.ge @!p1 [sflag:s15], $0x2000  }
0x1c: {  	s12 =	smov.u32 s9;
	[sflag:s15] =	ssyncset.done @!p1 $0x0;
	s9 =	smov.u32 s14  }
0x1d: {  	s11 =	sadd.s32 $0x1, s11;
	[sflag:s15] =	ssyncadd.s32 @!p1 $0xFFFFE000;
	s10 =	smov.u32 s16  }
.LBB1_1:
0x1e: {  	p1 =	sge.u32 s11, s5  }
0x1f: {  	s14 =	sand.u32 @!p1 $0x1FFFFFF, s9  }
0x20: {  	s15 =	smulhi.u32 @!p1 $0x147AE15, s14;
	_ =	sdelay $0x1  }
0x21: {  	s15 =	smul.u32 @!p1 $0xC8, s15  }
0x22: {  	s16 =	sxor.u32 @!p1 $0xFFFFFFFF, s11;
	s17 =	smul.u32 @!p1 $0xC80, s10  }
0x23: {  	s31 =	sadd.s32 $0xFFFFFFFF, s11;
	s16 =	sshll.u32 @!p1 s16, $0xD;
	s14 =	ssub.s32 @!p1 s14, s15  }
0x24: {  	s15 =	sand.u32 @!p1 $0x2000, s16;
	s16 =	sadd.s32 @!p1 s6, s17;
	s14 =	sshll.u32 @!p1 s14, $0x4  }
0x25: {  	s17 =	simm.s32 @!p1 $0x6400;
	s14 =	sadd.s32 @!p1 s14, s16;
	s16 =	simm.s32 @!p1 $0x40  }
0x26: {  	[tilespmem:s15], [sflag:$0x1] =	stream.strided.gather @!p1 [hbm4b:s14+s16], $0x2000, s17, s16, $0x38;
	[tilespmem:$0x8080] =	vst v63  }
0x27: {  	p1 =	sge.u32 s31, s5  }
.Ltmp2:
0x28: {  	_ = 	snop;
	(pc) =	sbr.rel @p1 .LBB1_5-.Ltmp2, $1  }
0x29: {  	_ =	sdelay $0x3  }
0x2a: {  	s14 =	simm.s32 $0x1  }
0x2b: {  	_ =	swait.ge [sflag:s4], $0x2000;
	s14 =	simm.s32 @!p0 $0x0  }
0x2c: {  	[sflag:s4] =	ssyncset.done $0x0;
	s15 =	sshll.u32 s14, $0xD  }
0x2d: {  	[sflag:s4] =	ssyncadd.s32 $0xFFFFE000;
	s18 =	sor.u32 $0x20, s15  }
0x2e: {  	s14 =	smul.u32 $0x8100, s14;
	v3 =	vld [tilespmem:s18+$0x10]  }
0x2f: {  	s30 =	sand.u32 $0x1, s11;
	v2 =	vld [tilespmem:s18+$0xFFFFFFF0]  }
0x30: {  	s15 =	smul.u32 $0x8100, s30;
	s14 =	sshrl.u32 s14, $0x2;
	v0 =	vld [tilespmem:s18+$0x0]  }
0x31: {  	v1 =	vld [tilespmem:s18+$0xFFFFFFE0];
	s16 =	sor.u32 $0x4000, s14  }
0x32: {  	s31 =	sshrl.u32 s15, $0x2;
	s15 =	sadd.s32 $0x0, s16  }
0x33: {  	s17 =	simm.s32 $0x4;
	s18 =	sadd.s32 $0x40, s18;
	s14 =	sor.u32 $0x4000, s31;
	[tilespmem:s15+$0x1830 ss:$0x81] =	vst.msk $0xffff, v3  }
.LBB1_3:
0x34: {  	v3 =	vld [tilespmem:s18+$0x10];
	p1 =	sne.s32 s17, $0x1FC;
	[tilespmem:s15+$0x810 ss:$0x81] =	vst.msk $0xffff, v2;
	s19 =	smov.u32 s17;
	s17 =	sadd.s32 $0x4, s17  }
.Ltmp3:
0x35: {  	v2 =	vld [tilespmem:s18+$0xFFFFFFF0];
	[tilespmem:s15+$0x1020 ss:$0x81] =	vst.msk $0xffff, v0;
	(pc) =	sbr.rel @p1 .LBB1_3-.Ltmp3, $4  }
0x36: {  	v0 =	vld [tilespmem:s18+$0x0];
	[tilespmem:s15+$0x0 ss:$0x81] =	vst.msk $0xffff, v1  }
0x37: {  	s15 =	sshra.s32 s19, $0x2;
	v1 =	vld [tilespmem:s18+$0xFFFFFFE0]  }
0x38: {  	s15 =	sadd.s32 s15, s16  }
0x39: {  	s18 =	sadd.s32 $0x40, s18;
	[tilespmem:s15+$0x1830 ss:$0x81] =	vst.msk $0xffff, v3  }
.Ltmp4:
0x3a: {  	_ = 	snop;
	(pc) =	sbr.rel .LBB1_4-.Ltmp4, $1  }
0x3b: {  	_ =	sdelay $0x3  }
.LBB1_6:
0x3c: {  	_ =	sfence.sel $0x180000  }
0x3d: {  	s2 =	simm.s32 $0x1;
	[bflag:$0x0] =	sbarrier.arrive $0xFFFF  }
0x3e: {  	s31 =	simm.s32 $0x2;
	[sflag:s2] =	ssyncpa.u1 $0x1  }
0x3f: {  	[sflag:s31] =	ssyncpa.u1 $0x1  }
0x40: {  	p0 =	sne.s32 s0, $0x0;
	_ =	strace $0x9000004A  }
0x41: {  	s0 =	sadd.s32 @!p0 $0x100000, s1;
	[bflag:$0x2] =	sbarrier.arrive $0xFFFF  }
0x42: {  	[sflag:s0] =	ssyncadd.tile.s32 @!p0 $0x1;
	_ =	shalt  }
.Lfunc_end1:
_tile_overlayer_lowered:
.L_overlay_start_2:
0x43: {  	(tag) =	ssettag $0x2  }
0x44: {  	s0 =	rddreg [dreg:$0x0];
	s2 =	stileid.u32  }
0x45: {  	s1 =	rddreg [dreg:$0x1];
	p0 =	sne.s32 s2, $0x0  }
0x46: {  	s3 =	rddreg [dreg:$0x2];
	[bflag:$0x3] =	sbarrier.arrive $0xFFFF;
	s2 =	simm.s32 @!p0 $0x1C01  }
0x47: {  	[timem:s3], [sflag:s2] =	dma.local @!p0 [hbm:s0], s1  }
0x48: {  	s0 =	simm.s32 @!p0 $0x1  }
0x49: {  	_ =	swait.ge @!p0 [sflag:s0], s1  }
0x4a: {  	s1 =	ssub.s32 @!p0 $0x0, s1;
	[sflag:s0] =	ssyncset.done @!p0 $0x0  }
0x4b: {  	[sflag:s0] =	ssyncadd.s32 @!p0 s1  }
0x4c: {  	[bflag:$0x3] =	sbarrier.arrive $0xFFFF  }
0x4d: {  	_ =	shalt  }

</sc_bundles>
